<compile_context>
chip_gen: v7x
topology: tpu7x:2x2x1
jax: 0.10.2.dev20260603
libtpu: 0.0.44.dev20260713+nightly
codegen_flags: <defaults>
</compile_context>

<pallas_src>
import functools

import jax
import jax.numpy as jnp
from jax import lax
from jax.experimental import pallas as pl
from jax.experimental.pallas import tpu as pltpu
from jax.experimental.pallas import tpu_sc as plsc

N = 10000
E = 320000
D = 128
H = 32

NC = 2
NS = 16
CHUNK = 125
NCHUNK = 80
EDGES_PER_TILE = CHUNK * NCHUNK
ROWS_PER_TILE = N // NS
SCHUNK = 125
SNCHUNK = 80
NBUF = 2
MBUF = 4

_MESH = plsc.VectorSubcoreMesh(core_axis_name="c", subcore_axis_name="s")


@functools.partial(
    pl.kernel,
    out_type=jax.ShapeDtypeStruct((NC, NS, ROWS_PER_TILE, D), jnp.float32),
    mesh=_MESH,
    scratch_types=[
        pltpu.VMEM((NCHUNK, CHUNK), jnp.int32),
        pltpu.VMEM((CHUNK, D), jnp.float32),
        pltpu.VMEM_SHARED((N, D), jnp.float32),
    ],
)
def _deg_kernel(dst_hbm, ones_hbm, z_hbm, deg_out, dst_v, ones_v, deg_sh):
    c = lax.axis_index("c")
    s = lax.axis_index("s")
    pltpu.sync_copy(dst_hbm.at[c, s], dst_v)
    pltpu.sync_copy(ones_hbm, ones_v)
    pltpu.sync_copy(z_hbm, deg_sh.at[pl.ds(s * ROWS_PER_TILE, ROWS_PER_TILE)])
    plsc.subcore_barrier()

    def body(k, carry):
        pltpu.sync_copy(ones_v, deg_sh.at[dst_v.at[k]], add=True)
        return carry

    lax.fori_loop(0, NCHUNK, body, 0)
    plsc.subcore_barrier()
    sl = pl.ds(s * ROWS_PER_TILE, ROWS_PER_TILE)
    pltpu.sync_copy(deg_sh.at[sl], deg_out.at[c, s])


@functools.partial(
    pl.kernel,
    out_type=jax.ShapeDtypeStruct((NC, NS, ROWS_PER_TILE, D), jnp.float32),
    mesh=_MESH,
    scratch_types=[
        pltpu.VMEM((MBUF, 2, SCHUNK), jnp.int32),
        pltpu.VMEM((NBUF, SCHUNK, D), jnp.float32),
        pltpu.VMEM_SHARED((N, D), jnp.float32),
        [pltpu.SemaphoreType.DMA] * MBUF,
        [pltpu.SemaphoreType.DMA] * NBUF,
    ],
)
def _scat_kernel(ei_hbm, y_hbm, z_hbm, acc_out,
                 idx_v, rows_v, acc_sh, isems, gsems):
    c = lax.axis_index("c")
    s = lax.axis_index("s")
    pltpu.sync_copy(z_hbm, acc_sh.at[pl.ds(s * ROWS_PER_TILE, ROWS_PER_TILE)])
    plsc.subcore_barrier()

    for j in range(MBUF):
        pltpu.async_copy(ei_hbm.at[c, s, j], idx_v.at[j], isems[j])
    for b in range(NBUF):
        pltpu.make_async_copy(ei_hbm.at[c, s, b], idx_v.at[b], isems[b]).wait()
        pltpu.async_copy(y_hbm.at[idx_v.at[b, 0]], rows_v.at[b], gsems[b])

    def body(g, carry):
        for j in range(MBUF):
            k = g * MBUF + j
            b = j % NBUF
            pltpu.make_async_copy(
                y_hbm.at[idx_v.at[j, 0]], rows_v.at[b], gsems[b]).wait()
            pltpu.sync_copy(rows_v.at[b], acc_sh.at[idx_v.at[j, 1]], add=True)

            @pl.when(k + MBUF < SNCHUNK)
            def _():
                pltpu.async_copy(ei_hbm.at[c, s, k + MBUF], idx_v.at[j],
                                 isems[j])

            jj = (j + NBUF) % MBUF

            @pl.when(k + NBUF < SNCHUNK)
            def _():
                pltpu.make_async_copy(
                    ei_hbm.at[c, s, 0], idx_v.at[jj], isems[jj]).wait()
                pltpu.async_copy(y_hbm.at[idx_v.at[jj, 0]], rows_v.at[b],
                                 gsems[b])
        return carry

    lax.fori_loop(0, SNCHUNK // MBUF, body, 0)
    plsc.subcore_barrier()
    sl = pl.ds(s * ROWS_PER_TILE, ROWS_PER_TILE)
    pltpu.sync_copy(acc_sh.at[sl], acc_out.at[c, s])


def _mm_body(state_ref, w_ref, deg_ref, y_ref, dinv_ref):
    deg = deg_ref[0][:, 0:1] + deg_ref[1][:, 0:1] + 1.0
    dinv = lax.rsqrt(deg)
    xw = jnp.dot(state_ref[...], w_ref[...], preferred_element_type=jnp.float32)
    y_ref[...] = xw * dinv
    dinv_ref[...] = dinv


_mm_call = pl.pallas_call(
    _mm_body,
    out_shape=[
        jax.ShapeDtypeStruct((N, D), jnp.float32),
        jax.ShapeDtypeStruct((N, 1), jnp.float32),
    ],
)


def _mlp_body(acc_ref, y_ref, dinv_ref, state_ref, bg_ref,
              w1_ref, b1_ref, w2_ref, b2_ref, w3_ref, b3_ref, act_ref):
    g = (acc_ref[0] + acc_ref[1] + y_ref[...]) * dinv_ref[...] + bg_ref[...]
    g = jnp.maximum(g, 0.0) + state_ref[...]
    h = jnp.dot(g, w1_ref[...], preferred_element_type=jnp.float32) + b1_ref[...]
    h = jnp.where(h >= 0, h, 0.01 * h)
    h = jnp.dot(h, w2_ref[...], preferred_element_type=jnp.float32) + b2_ref[...]
    h = jnp.where(h >= 0, h, 0.01 * h)
    z = jnp.dot(h, w3_ref[...], preferred_element_type=jnp.float32) + b3_ref[...]
    conc = jax.nn.softplus(z)
    act_ref[...] = conc / (jnp.sum(conc) + 1e-20)


_mlp_call = pl.pallas_call(
    _mlp_body,
    out_shape=jax.ShapeDtypeStruct((N, 1), jnp.float32),
)


def kernel(state, edge_index, W_gcn, b_gcn, W1, b1, W2, b2, W3, b3,
           deterministic):
    dst4 = edge_index[1].reshape(NC, NS, NCHUNK, CHUNK)
    ei5 = (edge_index.reshape(2, NC, NS, SNCHUNK, SCHUNK)
           .transpose(1, 2, 3, 0, 4))
    ones = jnp.ones((CHUNK, D), jnp.float32)
    zD = jnp.zeros((ROWS_PER_TILE, D), jnp.float32)
    z1 = zD

    deg_parts = _deg_kernel(dst4, ones, z1).reshape(NC, N, D)
    y, dinv = _mm_call(state, W_gcn, deg_parts)
    acc_parts = _scat_kernel(ei5, y, zD).reshape(NC, N, D)
    act = _mlp_call(acc_parts, y, dinv, state,
                    b_gcn.reshape(1, D), W1, b1.reshape(1, H),
                    W2, b2.reshape(1, H), W3, b3.reshape(1, 1))
    return act.reshape(N // 8, 8)

# --- scband reference (transcript-rebuilt; emitter-appended) ---
"""Pipeline reference for scband-sac-74217034875493 (READ-ONLY COPY).

The authoritative reference and input builder live on the scoring server;
editing this copy changes nothing except your own understanding.
"""

import jax, jax.numpy as jnp
import numpy as np

N = 10000
E = 320000
D = 128
H = 32
ACT = 8


def setup_inputs(seed: int = 0) -> dict:
    key = jax.random.key(seed)
    ks = jax.random.split(key, 12)
    inp = {}
    inp["state"] = jax.random.normal(ks[0], (N, D), dtype=jnp.float32)
    inp["edge_index"] = jax.random.randint(ks[1], (2, E), 0, N, dtype=jnp.int32)
    inp["W_gcn"] = jax.random.normal(ks[2], (D, D), dtype=jnp.float32) * 0.05
    inp["b_gcn"] = jnp.zeros((D,), dtype=jnp.float32)
    inp["W1"] = jax.random.normal(ks[3], (D, H), dtype=jnp.float32) * 0.05
    inp["b1"] = jnp.zeros((H,), dtype=jnp.float32)
    inp["W2"] = jax.random.normal(ks[4], (H, H), dtype=jnp.float32) * 0.05
    inp["b2"] = jnp.zeros((H,), dtype=jnp.float32)
    inp["W3"] = jax.random.normal(ks[5], (H, 1), dtype=jnp.float32) * 0.05
    inp["b3"] = jnp.zeros((1,), dtype=jnp.float32)
    inp["deterministic"] = 1
    return inp


def _gcn_conv(x, edge_index, W, b):
    src = edge_index[0]
    dst = edge_index[1]
    loop = jnp.arange(N, dtype=src.dtype)
    src = jnp.concatenate([src, loop])
    dst = jnp.concatenate([dst, loop])
    deg = jnp.zeros((N,), dtype=x.dtype).at[dst].add(1.0)
    deg_inv_sqrt = jnp.where(deg > 0, 1.0 / jnp.sqrt(deg), 0.0)
    norm = deg_inv_sqrt[src] * deg_inv_sqrt[dst]
    xw = x @ W
    msg = xw[src] * norm[:, None]
    out = jnp.zeros_like(xw).at[dst].add(msg)
    return out + b


def reference(state, edge_index, W_gcn, b_gcn, W1, b1, W2, b2, W3, b3, deterministic):
    out = jax.nn.relu(_gcn_conv(state, edge_index, W_gcn, b_gcn))
    x = out + state
    x = x.reshape(-1, ACT, D)
    x = jax.nn.leaky_relu(x @ W1 + b1)
    x = jax.nn.leaky_relu(x @ W2 + b2)
    x = jax.nn.softplus(x @ W3 + b3)
    concentration = x.squeeze(-1)
    # deterministic branch of GNNActor.forward
    action = concentration / (concentration.sum() + 1e-20)
    return action

if __name__ == "__main__":
    import jax
    _d = setup_inputs()
    print(jax.jit(kernel)(*tuple(_d.values())))

</pallas_src>

<mosaic_0001>
#map = affine_map<(d0, d1) -> (0, 0, 0, 0)>
#map1 = affine_map<(d0, d1) -> (0, 0)>
module attributes {stable_mosaic.version = 14 : i64} {
  func.func @_deg_kernel(%arg0: i32, %arg1: i32, %arg2: memref<2x16x80x125xi32, #tpu.memory_space<hbm>>, %arg3: memref<125x128xf32, #tpu.memory_space<hbm>>, %arg4: memref<625x128xf32, #tpu.memory_space<hbm>>, %arg5: memref<2x16x625x128xf32, #tpu.memory_space<hbm>>, %arg6: memref<80x125xi32, #tpu.memory_space<vmem>>, %arg7: memref<125x128xf32, #tpu.memory_space<vmem>>, %arg8: memref<10000x128xf32, #tpu.memory_space<vmem_shared>>) attributes {dimension_semantics = [#tpu.dimension_semantics<core_parallel>, #tpu.dimension_semantics<subcore_parallel>], iteration_bounds = array<i64: 2, 16>, scalar_prefetch = 0 : i64, scratch_operands = 3 : i64, tpu.core_type = #tpu.core_type<sc_vector_subcore>, window_params = [{transform_indices = #map}, {transform_indices = #map1}, {transform_indices = #map1}, {transform_indices = #map}]} {
    "tpu.region"() ({
      %run_scoped3A = tpu.sem_alloc : memref<!tpu.dma_semaphore, #tpu.memory_space<semaphore_mem>>
      %dma_start3A = arith.constant 0 : i32
      %dma_start3A_9 = arith.constant 0 : i32
      %dma_start3A_10 = tpu.memref_slice %arg2[%arg0, %arg1, %dma_start3A, %dma_start3A_9] : memref<2x16x80x125xi32, #tpu.memory_space<hbm>> -> memref<1x1x80x125xi32, #tpu.memory_space<hbm>>
      %dma_start3A_11 = tpu.memref_squeeze %dma_start3A_10 : memref<1x1x80x125xi32, #tpu.memory_space<hbm>> -> memref<80x125xi32, #tpu.memory_space<hbm>>
      %dma_start3A_12 = arith.constant 0 : i32
      %dma_start3A_13 = arith.constant 0 : i32
      %dma_start3A_14 = tpu.memref_slice %arg2[%arg0, %arg1, %dma_start3A_12, %dma_start3A_13] : memref<2x16x80x125xi32, #tpu.memory_space<hbm>> -> memref<1x1x80x125xi32, #tpu.memory_space<hbm>>
      %dma_start3A_15 = tpu.memref_squeeze %dma_start3A_14 : memref<1x1x80x125xi32, #tpu.memory_space<hbm>> -> memref<80x125xi32, #tpu.memory_space<hbm>>
      tpu.enqueue_dma source(%dma_start3A_15 : memref<80x125xi32, #tpu.memory_space<hbm>>) target(%arg6 : memref<80x125xi32, #tpu.memory_space<vmem>>) target_semaphore(%run_scoped3A : memref<!tpu.dma_semaphore, #tpu.memory_space<semaphore_mem>>)
      %dma_wait3A = arith.constant 0 : i32
      %dma_wait3A_16 = arith.constant 0 : i32
      %dma_wait3A_17 = tpu.memref_slice %arg2[%arg0, %arg1, %dma_wait3A, %dma_wait3A_16] : memref<2x16x80x125xi32, #tpu.memory_space<hbm>> -> memref<1x1x80x125xi32, #tpu.memory_space<hbm>>
      %dma_wait3A_18 = tpu.memref_squeeze %dma_wait3A_17 : memref<1x1x80x125xi32, #tpu.memory_space<hbm>> -> memref<80x125xi32, #tpu.memory_space<hbm>>
      %dma_wait3A_19 = arith.constant 0 : i32
      %dma_wait3A_20 = arith.constant 0 : i32
      %dma_wait3A_21 = tpu.memref_slice %arg2[%arg0, %arg1, %dma_wait3A_19, %dma_wait3A_20] : memref<2x16x80x125xi32, #tpu.memory_space<hbm>> -> memref<1x1x80x125xi32, #tpu.memory_space<hbm>>
      %dma_wait3A_22 = tpu.memref_squeeze %dma_wait3A_21 : memref<1x1x80x125xi32, #tpu.memory_space<hbm>> -> memref<80x125xi32, #tpu.memory_space<hbm>>
      tpu.wait_dma2 semaphore(%run_scoped3A : memref<!tpu.dma_semaphore, #tpu.memory_space<semaphore_mem>>) src(%dma_wait3A_22 : memref<80x125xi32, #tpu.memory_space<hbm>>) dst(%arg6 : memref<80x125xi32, #tpu.memory_space<vmem>>)
      tpu.yield
    }) : () -> ()
    "tpu.region"() ({
      %run_scoped3A = tpu.sem_alloc : memref<!tpu.dma_semaphore, #tpu.memory_space<semaphore_mem>>
      tpu.enqueue_dma source(%arg3 : memref<125x128xf32, #tpu.memory_space<hbm>>) target(%arg7 : memref<125x128xf32, #tpu.memory_space<vmem>>) target_semaphore(%run_scoped3A : memref<!tpu.dma_semaphore, #tpu.memory_space<semaphore_mem>>)
      tpu.wait_dma2 semaphore(%run_scoped3A : memref<!tpu.dma_semaphore, #tpu.memory_space<semaphore_mem>>) src(%arg3 : memref<125x128xf32, #tpu.memory_space<hbm>>) dst(%arg7 : memref<125x128xf32, #tpu.memory_space<vmem>>)
      tpu.yield
    }) : () -> ()
    %mul3A = arith.constant 625 : i32
    %mul3A_0 = arith.muli %arg1, %mul3A : i32
    "tpu.region"() ({
      %run_scoped3A = tpu.sem_alloc : memref<!tpu.dma_semaphore, #tpu.memory_space<semaphore_mem>>
      %dma_start3A = arith.constant 0 : i32
      %dma_start3A_9 = tpu.memref_slice %arg8[%mul3A_0, %dma_start3A] : memref<10000x128xf32, #tpu.memory_space<vmem_shared>> -> memref<625x128xf32, #tpu.memory_space<vmem_shared>>
      tpu.enqueue_dma source(%arg4 : memref<625x128xf32, #tpu.memory_space<hbm>>) target(%dma_start3A_9 : memref<625x128xf32, #tpu.memory_space<vmem_shared>>) target_semaphore(%run_scoped3A : memref<!tpu.dma_semaphore, #tpu.memory_space<semaphore_mem>>)
      %dma_wait3A = arith.constant 0 : i32
      %dma_wait3A_10 = tpu.memref_slice %arg8[%mul3A_0, %dma_wait3A] : memref<10000x128xf32, #tpu.memory_space<vmem_shared>> -> memref<625x128xf32, #tpu.memory_space<vmem_shared>>
      tpu.wait_dma2 semaphore(%run_scoped3A : memref<!tpu.dma_semaphore, #tpu.memory_space<semaphore_mem>>) src(%arg4 : memref<625x128xf32, #tpu.memory_space<hbm>>) dst(%dma_wait3A_10 : memref<625x128xf32, #tpu.memory_space<vmem_shared>>)
      tpu.yield
    }) : () -> ()
    %barrier3A = arith.constant 0 : index
    tpu.barrier barrier_id(%barrier3A)
    %scan3A = arith.constant 0 : i32
    %scan3A_1 = arith.constant 0 : i32
    %scan3A_2 = arith.constant 80 : i32
    %scan3A_3 = arith.addi %scan3A_1, %scan3A_2 : i32
    %scan3A_4 = arith.constant 1 : i32
    scf.for %scan3A_9 = %scan3A_1 to %scan3A_3 step %scan3A_4  : i32 {
      "tpu.region"() ({
        %run_scoped3A = tpu.sem_alloc : memref<!tpu.dma_semaphore, #tpu.memory_space<semaphore_mem>>
        %dma_start3A = arith.constant 0 : i32
        %dma_start3A_10 = tpu.memref_slice %arg6[%scan3A_9, %dma_start3A] : memref<80x125xi32, #tpu.memory_space<vmem>> -> memref<1x125xi32, #tpu.memory_space<vmem>>
        %dma_start3A_11 = tpu.memref_squeeze %dma_start3A_10 : memref<1x125xi32, #tpu.memory_space<vmem>> -> memref<125xi32, #tpu.memory_space<vmem>>
        %dma_start3A_12 = arith.constant 0 : i32
        %dma_start3A_13 = arith.constant 0 : i32
        %dma_start3A_14 = tpu.memref_slice %arg8[%dma_start3A_12, %dma_start3A_13] : memref<10000x128xf32, #tpu.memory_space<vmem_shared>> -> memref<10000x128xf32, #tpu.memory_space<vmem_shared>>
        tpu.enqueue_indirect_dma source(%arg7 : memref<125x128xf32, #tpu.memory_space<vmem>>) target(%dma_start3A_14 : memref<10000x128xf32, #tpu.memory_space<vmem_shared>>) offsets(%dma_start3A_11 : memref<125xi32, #tpu.memory_space<vmem>>) semaphore(%run_scoped3A : memref<!tpu.dma_semaphore, #tpu.memory_space<semaphore_mem>>) {add = true}
        %dma_wait3A = arith.constant 0 : i32
        %dma_wait3A_15 = tpu.memref_slice %arg6[%scan3A_9, %dma_wait3A] : memref<80x125xi32, #tpu.memory_space<vmem>> -> memref<1x125xi32, #tpu.memory_space<vmem>>
        %dma_wait3A_16 = tpu.memref_squeeze %dma_wait3A_15 : memref<1x125xi32, #tpu.memory_space<vmem>> -> memref<125xi32, #tpu.memory_space<vmem>>
        %dma_wait3A_17 = arith.constant 0 : i32
        %dma_wait3A_18 = arith.constant 0 : i32
        %dma_wait3A_19 = tpu.memref_slice %arg8[%dma_wait3A_17, %dma_wait3A_18] : memref<10000x128xf32, #tpu.memory_space<vmem_shared>> -> memref<10000x128xf32, #tpu.memory_space<vmem_shared>>
        tpu.wait_indirect_dma semaphore(%run_scoped3A : memref<!tpu.dma_semaphore, #tpu.memory_space<semaphore_mem>>) src(%arg7 : memref<125x128xf32, #tpu.memory_space<vmem>>) dst(%dma_wait3A_19 : memref<10000x128xf32, #tpu.memory_space<vmem_shared>>)
        tpu.yield
      }) : () -> ()
    }
    %scan3A_5 = arith.constant 80 : i32
    %barrier3A_6 = arith.constant 0 : index
    tpu.barrier barrier_id(%barrier3A_6)
    %mul3A_7 = arith.constant 625 : i32
    %mul3A_8 = arith.muli %arg1, %mul3A_7 : i32
    "tpu.region"() ({
      %run_scoped3A = tpu.sem_alloc : memref<!tpu.dma_semaphore, #tpu.memory_space<semaphore_mem>>
      %dma_start3A = arith.constant 0 : i32
      %dma_start3A_9 = arith.constant 0 : i32
      %dma_start3A_10 = tpu.memref_slice %arg5[%arg0, %arg1, %dma_start3A, %dma_start3A_9] : memref<2x16x625x128xf32, #tpu.memory_space<hbm>> -> memref<1x1x625x128xf32, #tpu.memory_space<hbm>>
      %dma_start3A_11 = tpu.memref_squeeze %dma_start3A_10 : memref<1x1x625x128xf32, #tpu.memory_space<hbm>> -> memref<625x128xf32, #tpu.memory_space<hbm>>
      %dma_start3A_12 = arith.constant 0 : i32
      %dma_start3A_13 = tpu.memref_slice %arg8[%mul3A_8, %dma_start3A_12] : memref<10000x128xf32, #tpu.memory_space<vmem_shared>> -> memref<625x128xf32, #tpu.memory_space<vmem_shared>>
      tpu.enqueue_dma source(%dma_start3A_13 : memref<625x128xf32, #tpu.memory_space<vmem_shared>>) target(%dma_start3A_11 : memref<625x128xf32, #tpu.memory_space<hbm>>) target_semaphore(%run_scoped3A : memref<!tpu.dma_semaphore, #tpu.memory_space<semaphore_mem>>)
      %dma_wait3A = arith.constant 0 : i32
      %dma_wait3A_14 = arith.constant 0 : i32
      %dma_wait3A_15 = tpu.memref_slice %arg5[%arg0, %arg1, %dma_wait3A, %dma_wait3A_14] : memref<2x16x625x128xf32, #tpu.memory_space<hbm>> -> memref<1x1x625x128xf32, #tpu.memory_space<hbm>>
      %dma_wait3A_16 = tpu.memref_squeeze %dma_wait3A_15 : memref<1x1x625x128xf32, #tpu.memory_space<hbm>> -> memref<625x128xf32, #tpu.memory_space<hbm>>
      %dma_wait3A_17 = arith.constant 0 : i32
      %dma_wait3A_18 = tpu.memref_slice %arg8[%mul3A_8, %dma_wait3A_17] : memref<10000x128xf32, #tpu.memory_space<vmem_shared>> -> memref<625x128xf32, #tpu.memory_space<vmem_shared>>
      tpu.wait_dma2 semaphore(%run_scoped3A : memref<!tpu.dma_semaphore, #tpu.memory_space<semaphore_mem>>) src(%dma_wait3A_18 : memref<625x128xf32, #tpu.memory_space<vmem_shared>>) dst(%dma_wait3A_16 : memref<625x128xf32, #tpu.memory_space<hbm>>)
      tpu.yield
    }) : () -> ()
    return
  }
}

#map = affine_map<(d0, d1) -> (0, 0, 0, 0, 0)>
#map1 = affine_map<(d0, d1) -> (0, 0)>
#map2 = affine_map<(d0, d1) -> (0, 0, 0, 0)>
module attributes {stable_mosaic.version = 14 : i64} {
  func.func @_scat_kernel(%arg0: i32, %arg1: i32, %arg2: memref<2x16x80x2x125xi32, #tpu.memory_space<hbm>>, %arg3: memref<10000x128xf32, #tpu.memory_space<hbm>>, %arg4: memref<625x128xf32, #tpu.memory_space<hbm>>, %arg5: memref<2x16x625x128xf32, #tpu.memory_space<hbm>>, %arg6: memref<4x2x125xi32, #tpu.memory_space<vmem>>, %arg7: memref<2x125x128xf32, #tpu.memory_space<vmem>>, %arg8: memref<10000x128xf32, #tpu.memory_space<vmem_shared>>, %arg9: memref<!tpu.dma_semaphore, #tpu.memory_space<semaphore_mem>>, %arg10: memref<!tpu.dma_semaphore, #tpu.memory_space<semaphore_mem>>, %arg11: memref<!tpu.dma_semaphore, #tpu.memory_space<semaphore_mem>>, %arg12: memref<!tpu.dma_semaphore, #tpu.memory_space<semaphore_mem>>, %arg13: memref<!tpu.dma_semaphore, #tpu.memory_space<semaphore_mem>>, %arg14: memref<!tpu.dma_semaphore, #tpu.memory_space<semaphore_mem>>) attributes {dimension_semantics = [#tpu.dimension_semantics<core_parallel>, #tpu.dimension_semantics<subcore_parallel>], iteration_bounds = array<i64: 2, 16>, scalar_prefetch = 0 : i64, scratch_operands = 9 : i64, tpu.core_type = #tpu.core_type<sc_vector_subcore>, window_params = [{transform_indices = #map}, {transform_indices = #map1}, {transform_indices = #map1}, {transform_indices = #map2}]} {
    %mul3A = arith.constant 625 : i32
    %mul3A_0 = arith.muli %arg1, %mul3A : i32
    "tpu.region"() ({
      %run_scoped3A = tpu.sem_alloc : memref<!tpu.dma_semaphore, #tpu.memory_space<semaphore_mem>>
      %dma_start3A_141 = arith.constant 0 : i32
      %dma_start3A_142 = tpu.memref_slice %arg8[%mul3A_0, %dma_start3A_141] : memref<10000x128xf32, #tpu.memory_space<vmem_shared>> -> memref<625x128xf32, #tpu.memory_space<vmem_shared>>
      tpu.enqueue_dma source(%arg4 : memref<625x128xf32, #tpu.memory_space<hbm>>) target(%dma_start3A_142 : memref<625x128xf32, #tpu.memory_space<vmem_shared>>) target_semaphore(%run_scoped3A : memref<!tpu.dma_semaphore, #tpu.memory_space<semaphore_mem>>)
      %dma_wait3A_143 = arith.constant 0 : i32
      %dma_wait3A_144 = tpu.memref_slice %arg8[%mul3A_0, %dma_wait3A_143] : memref<10000x128xf32, #tpu.memory_space<vmem_shared>> -> memref<625x128xf32, #tpu.memory_space<vmem_shared>>
      tpu.wait_dma2 semaphore(%run_scoped3A : memref<!tpu.dma_semaphore, #tpu.memory_space<semaphore_mem>>) src(%arg4 : memref<625x128xf32, #tpu.memory_space<hbm>>) dst(%dma_wait3A_144 : memref<625x128xf32, #tpu.memory_space<vmem_shared>>)
      tpu.yield
    }) : () -> ()
    %barrier3A = arith.constant 0 : index
    tpu.barrier barrier_id(%barrier3A)
    %dma_start3A = arith.constant 0 : i32
    %dma_start3A_1 = arith.constant 0 : i32
    %dma_start3A_2 = arith.constant 0 : i32
    %dma_start3A_3 = arith.constant 0 : i32
    %dma_start3A_4 = tpu.memref_slice %arg6[%dma_start3A_1, %dma_start3A_2, %dma_start3A_3] : memref<4x2x125xi32, #tpu.memory_space<vmem>> -> memref<1x2x125xi32, #tpu.memory_space<vmem>>
    %dma_start3A_5 = tpu.memref_squeeze %dma_start3A_4 : memref<1x2x125xi32, #tpu.memory_space<vmem>> -> memref<2x125xi32, #tpu.memory_space<vmem>>
    %dma_start3A_6 = arith.constant 0 : i32
    %dma_start3A_7 = arith.constant 0 : i32
    %dma_start3A_8 = tpu.memref_slice %arg2[%arg0, %arg1, %dma_start3A, %dma_start3A_6, %dma_start3A_7] : memref<2x16x80x2x125xi32, #tpu.memory_space<hbm>> -> memref<1x1x1x2x125xi32, #tpu.memory_space<hbm>>
    %dma_start3A_9 = tpu.memref_squeeze %dma_start3A_8 : memref<1x1x1x2x125xi32, #tpu.memory_space<hbm>> -> memref<2x125xi32, #tpu.memory_space<hbm>>
    %dma_start3A_10 = arith.constant 0 : i32
    %dma_start3A_11 = arith.constant 0 : i32
    %dma_start3A_12 = tpu.memref_slice %arg6[%dma_start3A_1, %dma_start3A_10, %dma_start3A_11] : memref<4x2x125xi32, #tpu.memory_space<vmem>> -> memref<1x2x125xi32, #tpu.memory_space<vmem>>
    %dma_start3A_13 = tpu.memref_squeeze %dma_start3A_12 : memref<1x2x125xi32, #tpu.memory_space<vmem>> -> memref<2x125xi32, #tpu.memory_space<vmem>>
    %dma_start3A_14 = arith.constant 0 : i32
    %dma_start3A_15 = arith.constant 0 : i32
    %dma_start3A_16 = tpu.memref_slice %arg2[%arg0, %arg1, %dma_start3A, %dma_start3A_14, %dma_start3A_15] : memref<2x16x80x2x125xi32, #tpu.memory_space<hbm>> -> memref<1x1x1x2x125xi32, #tpu.memory_space<hbm>>
    %dma_start3A_17 = tpu.memref_squeeze %dma_start3A_16 : memref<1x1x1x2x125xi32, #tpu.memory_space<hbm>> -> memref<2x125xi32, #tpu.memory_space<hbm>>
    tpu.enqueue_dma source(%dma_start3A_17 : memref<2x125xi32, #tpu.memory_space<hbm>>) target(%dma_start3A_13 : memref<2x125xi32, #tpu.memory_space<vmem>>) target_semaphore(%arg9 : memref<!tpu.dma_semaphore, #tpu.memory_space<semaphore_mem>>)
    %dma_start3A_18 = arith.constant 1 : i32
    %dma_start3A_19 = arith.constant 1 : i32
    %dma_start3A_20 = arith.constant 0 : i32
    %dma_start3A_21 = arith.constant 0 : i32
    %dma_start3A_22 = tpu.memref_slice %arg6[%dma_start3A_19, %dma_start3A_20, %dma_start3A_21] : memref<4x2x125xi32, #tpu.memory_space<vmem>> -> memref<1x2x125xi32, #tpu.memory_space<vmem>>
    %dma_start3A_23 = tpu.memref_squeeze %dma_start3A_22 : memref<1x2x125xi32, #tpu.memory_space<vmem>> -> memref<2x125xi32, #tpu.memory_space<vmem>>
    %dma_start3A_24 = arith.constant 0 : i32
    %dma_start3A_25 = arith.constant 0 : i32
    %dma_start3A_26 = tpu.memref_slice %arg2[%arg0, %arg1, %dma_start3A_18, %dma_start3A_24, %dma_start3A_25] : memref<2x16x80x2x125xi32, #tpu.memory_space<hbm>> -> memref<1x1x1x2x125xi32, #tpu.memory_space<hbm>>
    %dma_start3A_27 = tpu.memref_squeeze %dma_start3A_26 : memref<1x1x1x2x125xi32, #tpu.memory_space<hbm>> -> memref<2x125xi32, #tpu.memory_space<hbm>>
    %dma_start3A_28 = arith.constant 0 : i32
    %dma_start3A_29 = arith.constant 0 : i32
    %dma_start3A_30 = tpu.memref_slice %arg6[%dma_start3A_19, %dma_start3A_28, %dma_start3A_29] : memref<4x2x125xi32, #tpu.memory_space<vmem>> -> memref<1x2x125xi32, #tpu.memory_space<vmem>>
    %dma_start3A_31 = tpu.memref_squeeze %dma_start3A_30 : memref<1x2x125xi32, #tpu.memory_space<vmem>> -> memref<2x125xi32, #tpu.memory_space<vmem>>
    %dma_start3A_32 = arith.constant 0 : i32
    %dma_start3A_33 = arith.constant 0 : i32
    %dma_start3A_34 = tpu.memref_slice %arg2[%arg0, %arg1, %dma_start3A_18, %dma_start3A_32, %dma_start3A_33] : memref<2x16x80x2x125xi32, #tpu.memory_space<hbm>> -> memref<1x1x1x2x125xi32, #tpu.memory_space<hbm>>
    %dma_start3A_35 = tpu.memref_squeeze %dma_start3A_34 : memref<1x1x1x2x125xi32, #tpu.memory_space<hbm>> -> memref<2x125xi32, #tpu.memory_space<hbm>>
    tpu.enqueue_dma source(%dma_start3A_35 : memref<2x125xi32, #tpu.memory_space<hbm>>) target(%dma_start3A_31 : memref<2x125xi32, #tpu.memory_space<vmem>>) target_semaphore(%arg10 : memref<!tpu.dma_semaphore, #tpu.memory_space<semaphore_mem>>)
    %dma_start3A_36 = arith.constant 2 : i32
    %dma_start3A_37 = arith.constant 2 : i32
    %dma_start3A_38 = arith.constant 0 : i32
    %dma_start3A_39 = arith.constant 0 : i32
    %dma_start3A_40 = tpu.memref_slice %arg6[%dma_start3A_37, %dma_start3A_38, %dma_start3A_39] : memref<4x2x125xi32, #tpu.memory_space<vmem>> -> memref<1x2x125xi32, #tpu.memory_space<vmem>>
    %dma_start3A_41 = tpu.memref_squeeze %dma_start3A_40 : memref<1x2x125xi32, #tpu.memory_space<vmem>> -> memref<2x125xi32, #tpu.memory_space<vmem>>
    %dma_start3A_42 = arith.constant 0 : i32
    %dma_start3A_43 = arith.constant 0 : i32
    %dma_start3A_44 = tpu.memref_slice %arg2[%arg0, %arg1, %dma_start3A_36, %dma_start3A_42, %dma_start3A_43] : memref<2x16x80x2x125xi32, #tpu.memory_space<hbm>> -> memref<1x1x1x2x125xi32, #tpu.memory_space<hbm>>
    %dma_start3A_45 = tpu.memref_squeeze %dma_start3A_44 : memref<1x1x1x2x125xi32, #tpu.memory_space<hbm>> -> memref<2x125xi32, #tpu.memory_space<hbm>>
    %dma_start3A_46 = arith.constant 0 : i32
    %dma_start3A_47 = arith.constant 0 : i32
    %dma_start3A_48 = tpu.memref_slice %arg6[%dma_start3A_37, %dma_start3A_46, %dma_start3A_47] : memref<4x2x125xi32, #tpu.memory_space<vmem>> -> memref<1x2x125xi32, #tpu.memory_space<vmem>>
    %dma_start3A_49 = tpu.memref_squeeze %dma_start3A_48 : memref<1x2x125xi32, #tpu.memory_space<vmem>> -> memref<2x125xi32, #tpu.memory_space<vmem>>
    %dma_start3A_50 = arith.constant 0 : i32
    %dma_start3A_51 = arith.constant 0 : i32
    %dma_start3A_52 = tpu.memref_slice %arg2[%arg0, %arg1, %dma_start3A_36, %dma_start3A_50, %dma_start3A_51] : memref<2x16x80x2x125xi32, #tpu.memory_space<hbm>> -> memref<1x1x1x2x125xi32, #tpu.memory_space<hbm>>
    %dma_start3A_53 = tpu.memref_squeeze %dma_start3A_52 : memref<1x1x1x2x125xi32, #tpu.memory_space<hbm>> -> memref<2x125xi32, #tpu.memory_space<hbm>>
    tpu.enqueue_dma source(%dma_start3A_53 : memref<2x125xi32, #tpu.memory_space<hbm>>) target(%dma_start3A_49 : memref<2x125xi32, #tpu.memory_space<vmem>>) target_semaphore(%arg11 : memref<!tpu.dma_semaphore, #tpu.memory_space<semaphore_mem>>)
    %dma_start3A_54 = arith.constant 3 : i32
    %dma_start3A_55 = arith.constant 3 : i32
    %dma_start3A_56 = arith.constant 0 : i32
    %dma_start3A_57 = arith.constant 0 : i32
    %dma_start3A_58 = tpu.memref_slice %arg6[%dma_start3A_55, %dma_start3A_56, %dma_start3A_57] : memref<4x2x125xi32, #tpu.memory_space<vmem>> -> memref<1x2x125xi32, #tpu.memory_space<vmem>>
    %dma_start3A_59 = tpu.memref_squeeze %dma_start3A_58 : memref<1x2x125xi32, #tpu.memory_space<vmem>> -> memref<2x125xi32, #tpu.memory_space<vmem>>
    %dma_start3A_60 = arith.constant 0 : i32
    %dma_start3A_61 = arith.constant 0 : i32
    %dma_start3A_62 = tpu.memref_slice %arg2[%arg0, %arg1, %dma_start3A_54, %dma_start3A_60, %dma_start3A_61] : memref<2x16x80x2x125xi32, #tpu.memory_space<hbm>> -> memref<1x1x1x2x125xi32, #tpu.memory_space<hbm>>
    %dma_start3A_63 = tpu.memref_squeeze %dma_start3A_62 : memref<1x1x1x2x125xi32, #tpu.memory_space<hbm>> -> memref<2x125xi32, #tpu.memory_space<hbm>>
    %dma_start3A_64 = arith.constant 0 : i32
    %dma_start3A_65 = arith.constant 0 : i32
    %dma_start3A_66 = tpu.memref_slice %arg6[%dma_start3A_55, %dma_start3A_64, %dma_start3A_65] : memref<4x2x125xi32, #tpu.memory_space<vmem>> -> memref<1x2x125xi32, #tpu.memory_space<vmem>>
    %dma_start3A_67 = tpu.memref_squeeze %dma_start3A_66 : memref<1x2x125xi32, #tpu.memory_space<vmem>> -> memref<2x125xi32, #tpu.memory_space<vmem>>
    %dma_start3A_68 = arith.constant 0 : i32
    %dma_start3A_69 = arith.constant 0 : i32
    %dma_start3A_70 = tpu.memref_slice %arg2[%arg0, %arg1, %dma_start3A_54, %dma_start3A_68, %dma_start3A_69] : memref<2x16x80x2x125xi32, #tpu.memory_space<hbm>> -> memref<1x1x1x2x125xi32, #tpu.memory_space<hbm>>
    %dma_start3A_71 = tpu.memref_squeeze %dma_start3A_70 : memref<1x1x1x2x125xi32, #tpu.memory_space<hbm>> -> memref<2x125xi32, #tpu.memory_space<hbm>>
    tpu.enqueue_dma source(%dma_start3A_71 : memref<2x125xi32, #tpu.memory_space<hbm>>) target(%dma_start3A_67 : memref<2x125xi32, #tpu.memory_space<vmem>>) target_semaphore(%arg12 : memref<!tpu.dma_semaphore, #tpu.memory_space<semaphore_mem>>)
    %dma_wait3A = arith.constant 0 : i32
    %dma_wait3A_72 = arith.constant 0 : i32
    %dma_wait3A_73 = arith.constant 0 : i32
    %dma_wait3A_74 = arith.constant 0 : i32
    %dma_wait3A_75 = tpu.memref_slice %arg6[%dma_wait3A_72, %dma_wait3A_73, %dma_wait3A_74] : memref<4x2x125xi32, #tpu.memory_space<vmem>> -> memref<1x2x125xi32, #tpu.memory_space<vmem>>
    %dma_wait3A_76 = tpu.memref_squeeze %dma_wait3A_75 : memref<1x2x125xi32, #tpu.memory_space<vmem>> -> memref<2x125xi32, #tpu.memory_space<vmem>>
    %dma_wait3A_77 = arith.constant 0 : i32
    %dma_wait3A_78 = arith.constant 0 : i32
    %dma_wait3A_79 = tpu.memref_slice %arg2[%arg0, %arg1, %dma_wait3A, %dma_wait3A_77, %dma_wait3A_78] : memref<2x16x80x2x125xi32, #tpu.memory_space<hbm>> -> memref<1x1x1x2x125xi32, #tpu.memory_space<hbm>>
    %dma_wait3A_80 = tpu.memref_squeeze %dma_wait3A_79 : memref<1x1x1x2x125xi32, #tpu.memory_space<hbm>> -> memref<2x125xi32, #tpu.memory_space<hbm>>
    %dma_wait3A_81 = arith.constant 0 : i32
    %dma_wait3A_82 = arith.constant 0 : i32
    %dma_wait3A_83 = tpu.memref_slice %arg6[%dma_wait3A_72, %dma_wait3A_81, %dma_wait3A_82] : memref<4x2x125xi32, #tpu.memory_space<vmem>> -> memref<1x2x125xi32, #tpu.memory_space<vmem>>
    %dma_wait3A_84 = tpu.memref_squeeze %dma_wait3A_83 : memref<1x2x125xi32, #tpu.memory_space<vmem>> -> memref<2x125xi32, #tpu.memory_space<vmem>>
    %dma_wait3A_85 = arith.constant 0 : i32
    %dma_wait3A_86 = arith.constant 0 : i32
    %dma_wait3A_87 = tpu.memref_slice %arg2[%arg0, %arg1, %dma_wait3A, %dma_wait3A_85, %dma_wait3A_86] : memref<2x16x80x2x125xi32, #tpu.memory_space<hbm>> -> memref<1x1x1x2x125xi32, #tpu.memory_space<hbm>>
    %dma_wait3A_88 = tpu.memref_squeeze %dma_wait3A_87 : memref<1x1x1x2x125xi32, #tpu.memory_space<hbm>> -> memref<2x125xi32, #tpu.memory_space<hbm>>
    tpu.wait_dma2 semaphore(%arg9 : memref<!tpu.dma_semaphore, #tpu.memory_space<semaphore_mem>>) src(%dma_wait3A_88 : memref<2x125xi32, #tpu.memory_space<hbm>>) dst(%dma_wait3A_84 : memref<2x125xi32, #tpu.memory_space<vmem>>)
    %dma_start3A_89 = arith.constant 0 : i32
    %dma_start3A_90 = arith.constant 0 : i32
    %dma_start3A_91 = arith.constant 0 : i32
    %dma_start3A_92 = arith.constant 0 : i32
    %dma_start3A_93 = arith.constant 0 : i32
    %dma_start3A_94 = tpu.memref_slice %arg7[%dma_start3A_91, %dma_start3A_92, %dma_start3A_93] : memref<2x125x128xf32, #tpu.memory_space<vmem>> -> memref<1x125x128xf32, #tpu.memory_space<vmem>>
    %dma_start3A_95 = tpu.memref_squeeze %dma_start3A_94 : memref<1x125x128xf32, #tpu.memory_space<vmem>> -> memref<125x128xf32, #tpu.memory_space<vmem>>
    %dma_start3A_96 = arith.constant 0 : i32
    %dma_start3A_97 = tpu.memref_slice %arg6[%dma_start3A_89, %dma_start3A_90, %dma_start3A_96] : memref<4x2x125xi32, #tpu.memory_space<vmem>> -> memref<1x1x125xi32, #tpu.memory_space<vmem>>
    %dma_start3A_98 = tpu.memref_squeeze %dma_start3A_97 : memref<1x1x125xi32, #tpu.memory_space<vmem>> -> memref<125xi32, #tpu.memory_space<vmem>>
    %dma_start3A_99 = arith.constant 0 : i32
    %dma_start3A_100 = arith.constant 0 : i32
    %dma_start3A_101 = tpu.memref_slice %arg3[%dma_start3A_99, %dma_start3A_100] : memref<10000x128xf32, #tpu.memory_space<hbm>> -> memref<10000x128xf32, #tpu.memory_space<hbm>>
    tpu.enqueue_indirect_dma source(%dma_start3A_101 : memref<10000x128xf32, #tpu.memory_space<hbm>>) target(%dma_start3A_95 : memref<125x128xf32, #tpu.memory_space<vmem>>) offsets(%dma_start3A_98 : memref<125xi32, #tpu.memory_space<vmem>>) semaphore(%arg13 : memref<!tpu.dma_semaphore, #tpu.memory_space<semaphore_mem>>)
    %dma_wait3A_102 = arith.constant 1 : i32
    %dma_wait3A_103 = arith.constant 1 : i32
    %dma_wait3A_104 = arith.constant 0 : i32
    %dma_wait3A_105 = arith.constant 0 : i32
    %dma_wait3A_106 = tpu.memref_slice %arg6[%dma_wait3A_103, %dma_wait3A_104, %dma_wait3A_105] : memref<4x2x125xi32, #tpu.memory_space<vmem>> -> memref<1x2x125xi32, #tpu.memory_space<vmem>>
    %dma_wait3A_107 = tpu.memref_squeeze %dma_wait3A_106 : memref<1x2x125xi32, #tpu.memory_space<vmem>> -> memref<2x125xi32, #tpu.memory_space<vmem>>
    %dma_wait3A_108 = arith.constant 0 : i32
    %dma_wait3A_109 = arith.constant 0 : i32
    %dma_wait3A_110 = tpu.memref_slice %arg2[%arg0, %arg1, %dma_wait3A_102, %dma_wait3A_108, %dma_wait3A_109] : memref<2x16x80x2x125xi32, #tpu.memory_space<hbm>> -> memref<1x1x1x2x125xi32, #tpu.memory_space<hbm>>
    %dma_wait3A_111 = tpu.memref_squeeze %dma_wait3A_110 : memref<1x1x1x2x125xi32, #tpu.memory_space<hbm>> -> memref<2x125xi32, #tpu.memory_space<hbm>>
    %dma_wait3A_112 = arith.constant 0 : i32
    %dma_wait3A_113 = arith.constant 0 : i32
    %dma_wait3A_114 = tpu.memref_slice %arg6[%dma_wait3A_103, %dma_wait3A_112, %dma_wait3A_113] : memref<4x2x125xi32, #tpu.memory_space<vmem>> -> memref<1x2x125xi32, #tpu.memory_space<vmem>>
    %dma_wait3A_115 = tpu.memref_squeeze %dma_wait3A_114 : memref<1x2x125xi32, #tpu.memory_space<vmem>> -> memref<2x125xi32, #tpu.memory_space<vmem>>
    %dma_wait3A_116 = arith.constant 0 : i32
    %dma_wait3A_117 = arith.constant 0 : i32
    %dma_wait3A_118 = tpu.memref_slice %arg2[%arg0, %arg1, %dma_wait3A_102, %dma_wait3A_116, %dma_wait3A_117] : memref<2x16x80x2x125xi32, #tpu.memory_space<hbm>> -> memref<1x1x1x2x125xi32, #tpu.memory_space<hbm>>
    %dma_wait3A_119 = tpu.memref_squeeze %dma_wait3A_118 : memref<1x1x1x2x125xi32, #tpu.memory_space<hbm>> -> memref<2x125xi32, #tpu.memory_space<hbm>>
    tpu.wait_dma2 semaphore(%arg10 : memref<!tpu.dma_semaphore, #tpu.memory_space<semaphore_mem>>) src(%dma_wait3A_119 : memref<2x125xi32, #tpu.memory_space<hbm>>) dst(%dma_wait3A_115 : memref<2x125xi32, #tpu.memory_space<vmem>>)
    %dma_start3A_120 = arith.constant 1 : i32
    %dma_start3A_121 = arith.constant 0 : i32
    %dma_start3A_122 = arith.constant 1 : i32
    %dma_start3A_123 = arith.constant 0 : i32
    %dma_start3A_124 = arith.constant 0 : i32
    %dma_start3A_125 = tpu.memref_slice %arg7[%dma_start3A_122, %dma_start3A_123, %dma_start3A_124] : memref<2x125x128xf32, #tpu.memory_space<vmem>> -> memref<1x125x128xf32, #tpu.memory_space<vmem>>
    %dma_start3A_126 = tpu.memref_squeeze %dma_start3A_125 : memref<1x125x128xf32, #tpu.memory_space<vmem>> -> memref<125x128xf32, #tpu.memory_space<vmem>>
    %dma_start3A_127 = arith.constant 0 : i32
    %dma_start3A_128 = tpu.memref_slice %arg6[%dma_start3A_120, %dma_start3A_121, %dma_start3A_127] : memref<4x2x125xi32, #tpu.memory_space<vmem>> -> memref<1x1x125xi32, #tpu.memory_space<vmem>>
    %dma_start3A_129 = tpu.memref_squeeze %dma_start3A_128 : memref<1x1x125xi32, #tpu.memory_space<vmem>> -> memref<125xi32, #tpu.memory_space<vmem>>
    %dma_start3A_130 = arith.constant 0 : i32
    %dma_start3A_131 = arith.constant 0 : i32
    %dma_start3A_132 = tpu.memref_slice %arg3[%dma_start3A_130, %dma_start3A_131] : memref<10000x128xf32, #tpu.memory_space<hbm>> -> memref<10000x128xf32, #tpu.memory_space<hbm>>
    tpu.enqueue_indirect_dma source(%dma_start3A_132 : memref<10000x128xf32, #tpu.memory_space<hbm>>) target(%dma_start3A_126 : memref<125x128xf32, #tpu.memory_space<vmem>>) offsets(%dma_start3A_129 : memref<125xi32, #tpu.memory_space<vmem>>) semaphore(%arg14 : memref<!tpu.dma_semaphore, #tpu.memory_space<semaphore_mem>>)
    %scan3A = arith.constant 0 : i32
    %scan3A_133 = arith.constant 0 : i32
    %scan3A_134 = arith.constant 20 : i32
    %scan3A_135 = arith.addi %scan3A_133, %scan3A_134 : i32
    %scan3A_136 = arith.constant 1 : i32
    scf.for %scan3A_141 = %scan3A_133 to %scan3A_135 step %scan3A_136  : i32 {
      %mul3A_142 = arith.constant 4 : i32
      %mul3A_143 = arith.muli %scan3A_141, %mul3A_142 : i32
      %add3A = arith.constant 0 : i32
      %add3A_144 = arith.addi %mul3A_143, %add3A : i32
      %dma_wait3A_145 = arith.constant 0 : i32
      %dma_wait3A_146 = arith.constant 0 : i32
      %dma_wait3A_147 = arith.constant 0 : i32
      %dma_wait3A_148 = arith.constant 0 : i32
      %dma_wait3A_149 = arith.constant 0 : i32
      %dma_wait3A_150 = tpu.memref_slice %arg7[%dma_wait3A_147, %dma_wait3A_148, %dma_wait3A_149] : memref<2x125x128xf32, #tpu.memory_space<vmem>> -> memref<1x125x128xf32, #tpu.memory_space<vmem>>
      %dma_wait3A_151 = tpu.memref_squeeze %dma_wait3A_150 : memref<1x125x128xf32, #tpu.memory_space<vmem>> -> memref<125x128xf32, #tpu.memory_space<vmem>>
      %dma_wait3A_152 = arith.constant 0 : i32
      %dma_wait3A_153 = tpu.memref_slice %arg6[%dma_wait3A_145, %dma_wait3A_146, %dma_wait3A_152] : memref<4x2x125xi32, #tpu.memory_space<vmem>> -> memref<1x1x125xi32, #tpu.memory_space<vmem>>
      %dma_wait3A_154 = tpu.memref_squeeze %dma_wait3A_153 : memref<1x1x125xi32, #tpu.memory_space<vmem>> -> memref<125xi32, #tpu.memory_space<vmem>>
      %dma_wait3A_155 = arith.constant 0 : i32
      %dma_wait3A_156 = arith.constant 0 : i32
      %dma_wait3A_157 = tpu.memref_slice %arg3[%dma_wait3A_155, %dma_wait3A_156] : memref<10000x128xf32, #tpu.memory_space<hbm>> -> memref<10000x128xf32, #tpu.memory_space<hbm>>
      tpu.wait_indirect_dma semaphore(%arg13 : memref<!tpu.dma_semaphore, #tpu.memory_space<semaphore_mem>>) src(%dma_wait3A_157 : memref<10000x128xf32, #tpu.memory_space<hbm>>) dst(%dma_wait3A_151 : memref<125x128xf32, #tpu.memory_space<vmem>>)
      %run_scoped3A = arith.constant 0 : i32
      %run_scoped3A_158 = arith.constant 0 : i32
      %run_scoped3A_159 = arith.constant 1 : i32
      "tpu.region"() ({
        %run_scoped3A_273 = tpu.sem_alloc : memref<!tpu.dma_semaphore, #tpu.memory_space<semaphore_mem>>
        %dma_start3A_274 = arith.constant 0 : i32
        %dma_start3A_275 = arith.constant 0 : i32
        %dma_start3A_276 = tpu.memref_slice %arg7[%run_scoped3A, %dma_start3A_274, %dma_start3A_275] : memref<2x125x128xf32, #tpu.memory_space<vmem>> -> memref<1x125x128xf32, #tpu.memory_space<vmem>>
        %dma_start3A_277 = tpu.memref_squeeze %dma_start3A_276 : memref<1x125x128xf32, #tpu.memory_space<vmem>> -> memref<125x128xf32, #tpu.memory_space<vmem>>
        %dma_start3A_278 = arith.constant 0 : i32
        %dma_start3A_279 = tpu.memref_slice %arg6[%run_scoped3A_158, %run_scoped3A_159, %dma_start3A_278] : memref<4x2x125xi32, #tpu.memory_space<vmem>> -> memref<1x1x125xi32, #tpu.memory_space<vmem>>
        %dma_start3A_280 = tpu.memref_squeeze %dma_start3A_279 : memref<1x1x125xi32, #tpu.memory_space<vmem>> -> memref<125xi32, #tpu.memory_space<vmem>>
        %dma_start3A_281 = arith.constant 0 : i32
        %dma_start3A_282 = arith.constant 0 : i32
        %dma_start3A_283 = tpu.memref_slice %arg8[%dma_start3A_281, %dma_start3A_282] : memref<10000x128xf32, #tpu.memory_space<vmem_shared>> -> memref<10000x128xf32, #tpu.memory_space<vmem_shared>>
        tpu.enqueue_indirect_dma source(%dma_start3A_277 : memref<125x128xf32, #tpu.memory_space<vmem>>) target(%dma_start3A_283 : memref<10000x128xf32, #tpu.memory_space<vmem_shared>>) offsets(%dma_start3A_280 : memref<125xi32, #tpu.memory_space<vmem>>) semaphore(%run_scoped3A_273 : memref<!tpu.dma_semaphore, #tpu.memory_space<semaphore_mem>>) {add = true}
        %dma_wait3A_284 = arith.constant 0 : i32
        %dma_wait3A_285 = arith.constant 0 : i32
        %dma_wait3A_286 = tpu.memref_slice %arg7[%run_scoped3A, %dma_wait3A_284, %dma_wait3A_285] : memref<2x125x128xf32, #tpu.memory_space<vmem>> -> memref<1x125x128xf32, #tpu.memory_space<vmem>>
        %dma_wait3A_287 = tpu.memref_squeeze %dma_wait3A_286 : memref<1x125x128xf32, #tpu.memory_space<vmem>> -> memref<125x128xf32, #tpu.memory_space<vmem>>
        %dma_wait3A_288 = arith.constant 0 : i32
        %dma_wait3A_289 = tpu.memref_slice %arg6[%run_scoped3A_158, %run_scoped3A_159, %dma_wait3A_288] : memref<4x2x125xi32, #tpu.memory_space<vmem>> -> memref<1x1x125xi32, #tpu.memory_space<vmem>>
        %dma_wait3A_290 = tpu.memref_squeeze %dma_wait3A_289 : memref<1x1x125xi32, #tpu.memory_space<vmem>> -> memref<125xi32, #tpu.memory_space<vmem>>
        %dma_wait3A_291 = arith.constant 0 : i32
        %dma_wait3A_292 = arith.constant 0 : i32
        %dma_wait3A_293 = tpu.memref_slice %arg8[%dma_wait3A_291, %dma_wait3A_292] : memref<10000x128xf32, #tpu.memory_space<vmem_shared>> -> memref<10000x128xf32, #tpu.memory_space<vmem_shared>>
        tpu.wait_indirect_dma semaphore(%run_scoped3A_273 : memref<!tpu.dma_semaphore, #tpu.memory_space<semaphore_mem>>) src(%dma_wait3A_287 : memref<125x128xf32, #tpu.memory_space<vmem>>) dst(%dma_wait3A_293 : memref<10000x128xf32, #tpu.memory_space<vmem_shared>>)
        tpu.yield
      }) : () -> ()
      %add3A_160 = arith.constant 4 : i32
      %add3A_161 = arith.addi %add3A_144, %add3A_160 : i32
      %lt3A = arith.constant 80 : i32
      %lt3A_162 = arith.cmpi slt, %add3A_161, %lt3A : i32
      %convert_element_type3A = arith.extui %lt3A_162 : i1 to i32
      %cond3A = arith.constant 0 : i32
      %cond3A_163 = arith.cmpi ne, %convert_element_type3A, %cond3A : i32
      scf.if %cond3A_163 {
        %add3A_273 = arith.constant 4 : i32
        %add3A_274 = arith.addi %add3A_144, %add3A_273 : i32
        %dma_start3A_275 = arith.constant 0 : i32
        %dma_start3A_276 = arith.constant 0 : i32
        %dma_start3A_277 = arith.constant 0 : i32
        %dma_start3A_278 = tpu.memref_slice %arg6[%dma_start3A_275, %dma_start3A_276, %dma_start3A_277] : memref<4x2x125xi32, #tpu.memory_space<vmem>> -> memref<1x2x125xi32, #tpu.memory_space<vmem>>
        %dma_start3A_279 = tpu.memref_squeeze %dma_start3A_278 : memref<1x2x125xi32, #tpu.memory_space<vmem>> -> memref<2x125xi32, #tpu.memory_space<vmem>>
        %dma_start3A_280 = arith.constant 0 : i32
        %dma_start3A_281 = arith.constant 0 : i32
        %dma_start3A_282 = tpu.memref_slice %arg2[%arg0, %arg1, %add3A_274, %dma_start3A_280, %dma_start3A_281] : memref<2x16x80x2x125xi32, #tpu.memory_space<hbm>> -> memref<1x1x1x2x125xi32, #tpu.memory_space<hbm>>
        %dma_start3A_283 = tpu.memref_squeeze %dma_start3A_282 : memref<1x1x1x2x125xi32, #tpu.memory_space<hbm>> -> memref<2x125xi32, #tpu.memory_space<hbm>>
        %dma_start3A_284 = arith.constant 0 : i32
        %dma_start3A_285 = arith.constant 0 : i32
        %dma_start3A_286 = tpu.memref_slice %arg6[%dma_start3A_275, %dma_start3A_284, %dma_start3A_285] : memref<4x2x125xi32, #tpu.memory_space<vmem>> -> memref<1x2x125xi32, #tpu.memory_space<vmem>>
        %dma_start3A_287 = tpu.memref_squeeze %dma_start3A_286 : memref<1x2x125xi32, #tpu.memory_space<vmem>> -> memref<2x125xi32, #tpu.memory_space<vmem>>
        %dma_start3A_288 = arith.constant 0 : i32
        %dma_start3A_289 = arith.constant 0 : i32
        %dma_start3A_290 = tpu.memref_slice %arg2[%arg0, %arg1, %add3A_274, %dma_start3A_288, %dma_start3A_289] : memref<2x16x80x2x125xi32, #tpu.memory_space<hbm>> -> memref<1x1x1x2x125xi32, #tpu.memory_space<hbm>>
        %dma_start3A_291 = tpu.memref_squeeze %dma_start3A_290 : memref<1x1x1x2x125xi32, #tpu.memory_space<hbm>> -> memref<2x125xi32, #tpu.memory_space<hbm>>
        tpu.enqueue_dma source(%dma_start3A_291 : memref<2x125xi32, #tpu.memory_space<hbm>>) target(%dma_start3A_287 : memref<2x125xi32, #tpu.memory_space<vmem>>) target_semaphore(%arg9 : memref<!tpu.dma_semaphore, #tpu.memory_space<semaphore_mem>>)
      } else {
      }
      %add3A_164 = arith.constant 2 : i32
      %add3A_165 = arith.addi %add3A_144, %add3A_164 : i32
      %lt3A_166 = arith.constant 80 : i32
      %lt3A_167 = arith.cmpi slt, %add3A_165, %lt3A_166 : i32
      %convert_element_type3A_168 = arith.extui %lt3A_167 : i1 to i32
      %cond3A_169 = arith.constant 0 : i32
      %cond3A_170 = arith.cmpi ne, %convert_element_type3A_168, %cond3A_169 : i32
      scf.if %cond3A_170 {
        %dma_wait3A_273 = arith.constant 0 : i32
        %dma_wait3A_274 = arith.constant 2 : i32
        %dma_wait3A_275 = arith.constant 0 : i32
        %dma_wait3A_276 = arith.constant 0 : i32
        %dma_wait3A_277 = tpu.memref_slice %arg6[%dma_wait3A_274, %dma_wait3A_275, %dma_wait3A_276] : memref<4x2x125xi32, #tpu.memory_space<vmem>> -> memref<1x2x125xi32, #tpu.memory_space<vmem>>
        %dma_wait3A_278 = tpu.memref_squeeze %dma_wait3A_277 : memref<1x2x125xi32, #tpu.memory_space<vmem>> -> memref<2x125xi32, #tpu.memory_space<vmem>>
        %dma_wait3A_279 = arith.constant 0 : i32
        %dma_wait3A_280 = arith.constant 0 : i32
        %dma_wait3A_281 = tpu.memref_slice %arg2[%arg0, %arg1, %dma_wait3A_273, %dma_wait3A_279, %dma_wait3A_280] : memref<2x16x80x2x125xi32, #tpu.memory_space<hbm>> -> memref<1x1x1x2x125xi32, #tpu.memory_space<hbm>>
        %dma_wait3A_282 = tpu.memref_squeeze %dma_wait3A_281 : memref<1x1x1x2x125xi32, #tpu.memory_space<hbm>> -> memref<2x125xi32, #tpu.memory_space<hbm>>
        %dma_wait3A_283 = arith.constant 0 : i32
        %dma_wait3A_284 = arith.constant 0 : i32
        %dma_wait3A_285 = tpu.memref_slice %arg6[%dma_wait3A_274, %dma_wait3A_283, %dma_wait3A_284] : memref<4x2x125xi32, #tpu.memory_space<vmem>> -> memref<1x2x125xi32, #tpu.memory_space<vmem>>
        %dma_wait3A_286 = tpu.memref_squeeze %dma_wait3A_285 : memref<1x2x125xi32, #tpu.memory_space<vmem>> -> memref<2x125xi32, #tpu.memory_space<vmem>>
        %dma_wait3A_287 = arith.constant 0 : i32
        %dma_wait3A_288 = arith.constant 0 : i32
        %dma_wait3A_289 = tpu.memref_slice %arg2[%arg0, %arg1, %dma_wait3A_273, %dma_wait3A_287, %dma_wait3A_288] : memref<2x16x80x2x125xi32, #tpu.memory_space<hbm>> -> memref<1x1x1x2x125xi32, #tpu.memory_space<hbm>>
        %dma_wait3A_290 = tpu.memref_squeeze %dma_wait3A_289 : memref<1x1x1x2x125xi32, #tpu.memory_space<hbm>> -> memref<2x125xi32, #tpu.memory_space<hbm>>
        tpu.wait_dma2 semaphore(%arg11 : memref<!tpu.dma_semaphore, #tpu.memory_space<semaphore_mem>>) src(%dma_wait3A_290 : memref<2x125xi32, #tpu.memory_space<hbm>>) dst(%dma_wait3A_286 : memref<2x125xi32, #tpu.memory_space<vmem>>)
        %dma_start3A_291 = arith.constant 2 : i32
        %dma_start3A_292 = arith.constant 0 : i32
        %dma_start3A_293 = arith.constant 0 : i32
        %dma_start3A_294 = arith.constant 0 : i32
        %dma_start3A_295 = arith.constant 0 : i32
        %dma_start3A_296 = tpu.memref_slice %arg7[%dma_start3A_293, %dma_start3A_294, %dma_start3A_295] : memref<2x125x128xf32, #tpu.memory_space<vmem>> -> memref<1x125x128xf32, #tpu.memory_space<vmem>>
        %dma_start3A_297 = tpu.memref_squeeze %dma_start3A_296 : memref<1x125x128xf32, #tpu.memory_space<vmem>> -> memref<125x128xf32, #tpu.memory_space<vmem>>
        %dma_start3A_298 = arith.constant 0 : i32
        %dma_start3A_299 = tpu.memref_slice %arg6[%dma_start3A_291, %dma_start3A_292, %dma_start3A_298] : memref<4x2x125xi32, #tpu.memory_space<vmem>> -> memref<1x1x125xi32, #tpu.memory_space<vmem>>
        %dma_start3A_300 = tpu.memref_squeeze %dma_start3A_299 : memref<1x1x125xi32, #tpu.memory_space<vmem>> -> memref<125xi32, #tpu.memory_space<vmem>>
        %dma_start3A_301 = arith.constant 0 : i32
        %dma_start3A_302 = arith.constant 0 : i32
        %dma_start3A_303 = tpu.memref_slice %arg3[%dma_start3A_301, %dma_start3A_302] : memref<10000x128xf32, #tpu.memory_space<hbm>> -> memref<10000x128xf32, #tpu.memory_space<hbm>>
        tpu.enqueue_indirect_dma source(%dma_start3A_303 : memref<10000x128xf32, #tpu.memory_space<hbm>>) target(%dma_start3A_297 : memref<125x128xf32, #tpu.memory_space<vmem>>) offsets(%dma_start3A_300 : memref<125xi32, #tpu.memory_space<vmem>>) semaphore(%arg13 : memref<!tpu.dma_semaphore, #tpu.memory_space<semaphore_mem>>)
      } else {
      }
      %mul3A_171 = arith.constant 4 : i32
      %mul3A_172 = arith.muli %scan3A_141, %mul3A_171 : i32
      %add3A_173 = arith.constant 1 : i32
      %add3A_174 = arith.addi %mul3A_172, %add3A_173 : i32
      %dma_wait3A_175 = arith.constant 1 : i32
      %dma_wait3A_176 = arith.constant 0 : i32
      %dma_wait3A_177 = arith.constant 1 : i32
      %dma_wait3A_178 = arith.constant 0 : i32
      %dma_wait3A_179 = arith.constant 0 : i32
      %dma_wait3A_180 = tpu.memref_slice %arg7[%dma_wait3A_177, %dma_wait3A_178, %dma_wait3A_179] : memref<2x125x128xf32, #tpu.memory_space<vmem>> -> memref<1x125x128xf32, #tpu.memory_space<vmem>>
      %dma_wait3A_181 = tpu.memref_squeeze %dma_wait3A_180 : memref<1x125x128xf32, #tpu.memory_space<vmem>> -> memref<125x128xf32, #tpu.memory_space<vmem>>
      %dma_wait3A_182 = arith.constant 0 : i32
      %dma_wait3A_183 = tpu.memref_slice %arg6[%dma_wait3A_175, %dma_wait3A_176, %dma_wait3A_182] : memref<4x2x125xi32, #tpu.memory_space<vmem>> -> memref<1x1x125xi32, #tpu.memory_space<vmem>>
      %dma_wait3A_184 = tpu.memref_squeeze %dma_wait3A_183 : memref<1x1x125xi32, #tpu.memory_space<vmem>> -> memref<125xi32, #tpu.memory_space<vmem>>
      %dma_wait3A_185 = arith.constant 0 : i32
      %dma_wait3A_186 = arith.constant 0 : i32
      %dma_wait3A_187 = tpu.memref_slice %arg3[%dma_wait3A_185, %dma_wait3A_186] : memref<10000x128xf32, #tpu.memory_space<hbm>> -> memref<10000x128xf32, #tpu.memory_space<hbm>>
      tpu.wait_indirect_dma semaphore(%arg14 : memref<!tpu.dma_semaphore, #tpu.memory_space<semaphore_mem>>) src(%dma_wait3A_187 : memref<10000x128xf32, #tpu.memory_space<hbm>>) dst(%dma_wait3A_181 : memref<125x128xf32, #tpu.memory_space<vmem>>)
      %run_scoped3A_188 = arith.constant 1 : i32
      %run_scoped3A_189 = arith.constant 1 : i32
      %run_scoped3A_190 = arith.constant 1 : i32
      "tpu.region"() ({
        %run_scoped3A_273 = tpu.sem_alloc : memref<!tpu.dma_semaphore, #tpu.memory_space<semaphore_mem>>
        %dma_start3A_274 = arith.constant 0 : i32
        %dma_start3A_275 = arith.constant 0 : i32
        %dma_start3A_276 = tpu.memref_slice %arg7[%run_scoped3A_188, %dma_start3A_274, %dma_start3A_275] : memref<2x125x128xf32, #tpu.memory_space<vmem>> -> memref<1x125x128xf32, #tpu.memory_space<vmem>>
        %dma_start3A_277 = tpu.memref_squeeze %dma_start3A_276 : memref<1x125x128xf32, #tpu.memory_space<vmem>> -> memref<125x128xf32, #tpu.memory_space<vmem>>
        %dma_start3A_278 = arith.constant 0 : i32
        %dma_start3A_279 = tpu.memref_slice %arg6[%run_scoped3A_189, %run_scoped3A_190, %dma_start3A_278] : memref<4x2x125xi32, #tpu.memory_space<vmem>> -> memref<1x1x125xi32, #tpu.memory_space<vmem>>
        %dma_start3A_280 = tpu.memref_squeeze %dma_start3A_279 : memref<1x1x125xi32, #tpu.memory_space<vmem>> -> memref<125xi32, #tpu.memory_space<vmem>>
        %dma_start3A_281 = arith.constant 0 : i32
        %dma_start3A_282 = arith.constant 0 : i32
        %dma_start3A_283 = tpu.memref_slice %arg8[%dma_start3A_281, %dma_start3A_282] : memref<10000x128xf32, #tpu.memory_space<vmem_shared>> -> memref<10000x128xf32, #tpu.memory_space<vmem_shared>>
        tpu.enqueue_indirect_dma source(%dma_start3A_277 : memref<125x128xf32, #tpu.memory_space<vmem>>) target(%dma_start3A_283 : memref<10000x128xf32, #tpu.memory_space<vmem_shared>>) offsets(%dma_start3A_280 : memref<125xi32, #tpu.memory_space<vmem>>) semaphore(%run_scoped3A_273 : memref<!tpu.dma_semaphore, #tpu.memory_space<semaphore_mem>>) {add = true}
        %dma_wait3A_284 = arith.constant 0 : i32
        %dma_wait3A_285 = arith.constant 0 : i32
        %dma_wait3A_286 = tpu.memref_slice %arg7[%run_scoped3A_188, %dma_wait3A_284, %dma_wait3A_285] : memref<2x125x128xf32, #tpu.memory_space<vmem>> -> memref<1x125x128xf32, #tpu.memory_space<vmem>>
        %dma_wait3A_287 = tpu.memref_squeeze %dma_wait3A_286 : memref<1x125x128xf32, #tpu.memory_space<vmem>> -> memref<125x128xf32, #tpu.memory_space<vmem>>
        %dma_wait3A_288 = arith.constant 0 : i32
        %dma_wait3A_289 = tpu.memref_slice %arg6[%run_scoped3A_189, %run_scoped3A_190, %dma_wait3A_288] : memref<4x2x125xi32, #tpu.memory_space<vmem>> -> memref<1x1x125xi32, #tpu.memory_space<vmem>>
        %dma_wait3A_290 = tpu.memref_squeeze %dma_wait3A_289 : memref<1x1x125xi32, #tpu.memory_space<vmem>> -> memref<125xi32, #tpu.memory_space<vmem>>
        %dma_wait3A_291 = arith.constant 0 : i32
        %dma_wait3A_292 = arith.constant 0 : i32
        %dma_wait3A_293 = tpu.memref_slice %arg8[%dma_wait3A_291, %dma_wait3A_292] : memref<10000x128xf32, #tpu.memory_space<vmem_shared>> -> memref<10000x128xf32, #tpu.memory_space<vmem_shared>>
        tpu.wait_indirect_dma semaphore(%run_scoped3A_273 : memref<!tpu.dma_semaphore, #tpu.memory_space<semaphore_mem>>) src(%dma_wait3A_287 : memref<125x128xf32, #tpu.memory_space<vmem>>) dst(%dma_wait3A_293 : memref<10000x128xf32, #tpu.memory_space<vmem_shared>>)
        tpu.yield
      }) : () -> ()
      %add3A_191 = arith.constant 4 : i32
      %add3A_192 = arith.addi %add3A_174, %add3A_191 : i32
      %lt3A_193 = arith.constant 80 : i32
      %lt3A_194 = arith.cmpi slt, %add3A_192, %lt3A_193 : i32
      %convert_element_type3A_195 = arith.extui %lt3A_194 : i1 to i32
      %cond3A_196 = arith.constant 0 : i32
      %cond3A_197 = arith.cmpi ne, %convert_element_type3A_195, %cond3A_196 : i32
      scf.if %cond3A_197 {
        %add3A_273 = arith.constant 4 : i32
        %add3A_274 = arith.addi %add3A_174, %add3A_273 : i32
        %dma_start3A_275 = arith.constant 1 : i32
        %dma_start3A_276 = arith.constant 0 : i32
        %dma_start3A_277 = arith.constant 0 : i32
        %dma_start3A_278 = tpu.memref_slice %arg6[%dma_start3A_275, %dma_start3A_276, %dma_start3A_277] : memref<4x2x125xi32, #tpu.memory_space<vmem>> -> memref<1x2x125xi32, #tpu.memory_space<vmem>>
        %dma_start3A_279 = tpu.memref_squeeze %dma_start3A_278 : memref<1x2x125xi32, #tpu.memory_space<vmem>> -> memref<2x125xi32, #tpu.memory_space<vmem>>
        %dma_start3A_280 = arith.constant 0 : i32
        %dma_start3A_281 = arith.constant 0 : i32
        %dma_start3A_282 = tpu.memref_slice %arg2[%arg0, %arg1, %add3A_274, %dma_start3A_280, %dma_start3A_281] : memref<2x16x80x2x125xi32, #tpu.memory_space<hbm>> -> memref<1x1x1x2x125xi32, #tpu.memory_space<hbm>>
        %dma_start3A_283 = tpu.memref_squeeze %dma_start3A_282 : memref<1x1x1x2x125xi32, #tpu.memory_space<hbm>> -> memref<2x125xi32, #tpu.memory_space<hbm>>
        %dma_start3A_284 = arith.constant 0 : i32
        %dma_start3A_285 = arith.constant 0 : i32
        %dma_start3A_286 = tpu.memref_slice %arg6[%dma_start3A_275, %dma_start3A_284, %dma_start3A_285] : memref<4x2x125xi32, #tpu.memory_space<vmem>> -> memref<1x2x125xi32, #tpu.memory_space<vmem>>
        %dma_start3A_287 = tpu.memref_squeeze %dma_start3A_286 : memref<1x2x125xi32, #tpu.memory_space<vmem>> -> memref<2x125xi32, #tpu.memory_space<vmem>>
        %dma_start3A_288 = arith.constant 0 : i32
        %dma_start3A_289 = arith.constant 0 : i32
        %dma_start3A_290 = tpu.memref_slice %arg2[%arg0, %arg1, %add3A_274, %dma_start3A_288, %dma_start3A_289] : memref<2x16x80x2x125xi32, #tpu.memory_space<hbm>> -> memref<1x1x1x2x125xi32, #tpu.memory_space<hbm>>
        %dma_start3A_291 = tpu.memref_squeeze %dma_start3A_290 : memref<1x1x1x2x125xi32, #tpu.memory_space<hbm>> -> memref<2x125xi32, #tpu.memory_space<hbm>>
        tpu.enqueue_dma source(%dma_start3A_291 : memref<2x125xi32, #tpu.memory_space<hbm>>) target(%dma_start3A_287 : memref<2x125xi32, #tpu.memory_space<vmem>>) target_semaphore(%arg10 : memref<!tpu.dma_semaphore, #tpu.memory_space<semaphore_mem>>)
      } else {
      }
      %add3A_198 = arith.constant 2 : i32
      %add3A_199 = arith.addi %add3A_174, %add3A_198 : i32
      %lt3A_200 = arith.constant 80 : i32
      %lt3A_201 = arith.cmpi slt, %add3A_199, %lt3A_200 : i32
      %convert_element_type3A_202 = arith.extui %lt3A_201 : i1 to i32
      %cond3A_203 = arith.constant 0 : i32
      %cond3A_204 = arith.cmpi ne, %convert_element_type3A_202, %cond3A_203 : i32
      scf.if %cond3A_204 {
        %dma_wait3A_273 = arith.constant 0 : i32
        %dma_wait3A_274 = arith.constant 3 : i32
        %dma_wait3A_275 = arith.constant 0 : i32
        %dma_wait3A_276 = arith.constant 0 : i32
        %dma_wait3A_277 = tpu.memref_slice %arg6[%dma_wait3A_274, %dma_wait3A_275, %dma_wait3A_276] : memref<4x2x125xi32, #tpu.memory_space<vmem>> -> memref<1x2x125xi32, #tpu.memory_space<vmem>>
        %dma_wait3A_278 = tpu.memref_squeeze %dma_wait3A_277 : memref<1x2x125xi32, #tpu.memory_space<vmem>> -> memref<2x125xi32, #tpu.memory_space<vmem>>
        %dma_wait3A_279 = arith.constant 0 : i32
        %dma_wait3A_280 = arith.constant 0 : i32
        %dma_wait3A_281 = tpu.memref_slice %arg2[%arg0, %arg1, %dma_wait3A_273, %dma_wait3A_279, %dma_wait3A_280] : memref<2x16x80x2x125xi32, #tpu.memory_space<hbm>> -> memref<1x1x1x2x125xi32, #tpu.memory_space<hbm>>
        %dma_wait3A_282 = tpu.memref_squeeze %dma_wait3A_281 : memref<1x1x1x2x125xi32, #tpu.memory_space<hbm>> -> memref<2x125xi32, #tpu.memory_space<hbm>>
        %dma_wait3A_283 = arith.constant 0 : i32
        %dma_wait3A_284 = arith.constant 0 : i32
        %dma_wait3A_285 = tpu.memref_slice %arg6[%dma_wait3A_274, %dma_wait3A_283, %dma_wait3A_284] : memref<4x2x125xi32, #tpu.memory_space<vmem>> -> memref<1x2x125xi32, #tpu.memory_space<vmem>>
        %dma_wait3A_286 = tpu.memref_squeeze %dma_wait3A_285 : memref<1x2x125xi32, #tpu.memory_space<vmem>> -> memref<2x125xi32, #tpu.memory_space<vmem>>
        %dma_wait3A_287 = arith.constant 0 : i32
        %dma_wait3A_288 = arith.constant 0 : i32
        %dma_wait3A_289 = tpu.memref_slice %arg2[%arg0, %arg1, %dma_wait3A_273, %dma_wait3A_287, %dma_wait3A_288] : memref<2x16x80x2x125xi32, #tpu.memory_space<hbm>> -> memref<1x1x1x2x125xi32, #tpu.memory_space<hbm>>
        %dma_wait3A_290 = tpu.memref_squeeze %dma_wait3A_289 : memref<1x1x1x2x125xi32, #tpu.memory_space<hbm>> -> memref<2x125xi32, #tpu.memory_space<hbm>>
        tpu.wait_dma2 semaphore(%arg12 : memref<!tpu.dma_semaphore, #tpu.memory_space<semaphore_mem>>) src(%dma_wait3A_290 : memref<2x125xi32, #tpu.memory_space<hbm>>) dst(%dma_wait3A_286 : memref<2x125xi32, #tpu.memory_space<vmem>>)
        %dma_start3A_291 = arith.constant 3 : i32
        %dma_start3A_292 = arith.constant 0 : i32
        %dma_start3A_293 = arith.constant 1 : i32
        %dma_start3A_294 = arith.constant 0 : i32
        %dma_start3A_295 = arith.constant 0 : i32
        %dma_start3A_296 = tpu.memref_slice %arg7[%dma_start3A_293, %dma_start3A_294, %dma_start3A_295] : memref<2x125x128xf32, #tpu.memory_space<vmem>> -> memref<1x125x128xf32, #tpu.memory_space<vmem>>
        %dma_start3A_297 = tpu.memref_squeeze %dma_start3A_296 : memref<1x125x128xf32, #tpu.memory_space<vmem>> -> memref<125x128xf32, #tpu.memory_space<vmem>>
        %dma_start3A_298 = arith.constant 0 : i32
        %dma_start3A_299 = tpu.memref_slice %arg6[%dma_start3A_291, %dma_start3A_292, %dma_start3A_298] : memref<4x2x125xi32, #tpu.memory_space<vmem>> -> memref<1x1x125xi32, #tpu.memory_space<vmem>>
        %dma_start3A_300 = tpu.memref_squeeze %dma_start3A_299 : memref<1x1x125xi32, #tpu.memory_space<vmem>> -> memref<125xi32, #tpu.memory_space<vmem>>
        %dma_start3A_301 = arith.constant 0 : i32
        %dma_start3A_302 = arith.constant 0 : i32
        %dma_start3A_303 = tpu.memref_slice %arg3[%dma_start3A_301, %dma_start3A_302] : memref<10000x128xf32, #tpu.memory_space<hbm>> -> memref<10000x128xf32, #tpu.memory_space<hbm>>
        tpu.enqueue_indirect_dma source(%dma_start3A_303 : memref<10000x128xf32, #tpu.memory_space<hbm>>) target(%dma_start3A_297 : memref<125x128xf32, #tpu.memory_space<vmem>>) offsets(%dma_start3A_300 : memref<125xi32, #tpu.memory_space<vmem>>) semaphore(%arg14 : memref<!tpu.dma_semaphore, #tpu.memory_space<semaphore_mem>>)
      } else {
      }
      %mul3A_205 = arith.constant 4 : i32
      %mul3A_206 = arith.muli %scan3A_141, %mul3A_205 : i32
      %add3A_207 = arith.constant 2 : i32
      %add3A_208 = arith.addi %mul3A_206, %add3A_207 : i32
      %dma_wait3A_209 = arith.constant 2 : i32
      %dma_wait3A_210 = arith.constant 0 : i32
      %dma_wait3A_211 = arith.constant 0 : i32
      %dma_wait3A_212 = arith.constant 0 : i32
      %dma_wait3A_213 = arith.constant 0 : i32
      %dma_wait3A_214 = tpu.memref_slice %arg7[%dma_wait3A_211, %dma_wait3A_212, %dma_wait3A_213] : memref<2x125x128xf32, #tpu.memory_space<vmem>> -> memref<1x125x128xf32, #tpu.memory_space<vmem>>
      %dma_wait3A_215 = tpu.memref_squeeze %dma_wait3A_214 : memref<1x125x128xf32, #tpu.memory_space<vmem>> -> memref<125x128xf32, #tpu.memory_space<vmem>>
      %dma_wait3A_216 = arith.constant 0 : i32
      %dma_wait3A_217 = tpu.memref_slice %arg6[%dma_wait3A_209, %dma_wait3A_210, %dma_wait3A_216] : memref<4x2x125xi32, #tpu.memory_space<vmem>> -> memref<1x1x125xi32, #tpu.memory_space<vmem>>
      %dma_wait3A_218 = tpu.memref_squeeze %dma_wait3A_217 : memref<1x1x125xi32, #tpu.memory_space<vmem>> -> memref<125xi32, #tpu.memory_space<vmem>>
      %dma_wait3A_219 = arith.constant 0 : i32
      %dma_wait3A_220 = arith.constant 0 : i32
      %dma_wait3A_221 = tpu.memref_slice %arg3[%dma_wait3A_219, %dma_wait3A_220] : memref<10000x128xf32, #tpu.memory_space<hbm>> -> memref<10000x128xf32, #tpu.memory_space<hbm>>
      tpu.wait_indirect_dma semaphore(%arg13 : memref<!tpu.dma_semaphore, #tpu.memory_space<semaphore_mem>>) src(%dma_wait3A_221 : memref<10000x128xf32, #tpu.memory_space<hbm>>) dst(%dma_wait3A_215 : memref<125x128xf32, #tpu.memory_space<vmem>>)
      %run_scoped3A_222 = arith.constant 0 : i32
      %run_scoped3A_223 = arith.constant 2 : i32
      %run_scoped3A_224 = arith.constant 1 : i32
      "tpu.region"() ({
        %run_scoped3A_273 = tpu.sem_alloc : memref<!tpu.dma_semaphore, #tpu.memory_space<semaphore_mem>>
        %dma_start3A_274 = arith.constant 0 : i32
        %dma_start3A_275 = arith.constant 0 : i32
        %dma_start3A_276 = tpu.memref_slice %arg7[%run_scoped3A_222, %dma_start3A_274, %dma_start3A_275] : memref<2x125x128xf32, #tpu.memory_space<vmem>> -> memref<1x125x128xf32, #tpu.memory_space<vmem>>
        %dma_start3A_277 = tpu.memref_squeeze %dma_start3A_276 : memref<1x125x128xf32, #tpu.memory_space<vmem>> -> memref<125x128xf32, #tpu.memory_space<vmem>>
        %dma_start3A_278 = arith.constant 0 : i32
        %dma_start3A_279 = tpu.memref_slice %arg6[%run_scoped3A_223, %run_scoped3A_224, %dma_start3A_278] : memref<4x2x125xi32, #tpu.memory_space<vmem>> -> memref<1x1x125xi32, #tpu.memory_space<vmem>>
        %dma_start3A_280 = tpu.memref_squeeze %dma_start3A_279 : memref<1x1x125xi32, #tpu.memory_space<vmem>> -> memref<125xi32, #tpu.memory_space<vmem>>
        %dma_start3A_281 = arith.constant 0 : i32
        %dma_start3A_282 = arith.constant 0 : i32
        %dma_start3A_283 = tpu.memref_slice %arg8[%dma_start3A_281, %dma_start3A_282] : memref<10000x128xf32, #tpu.memory_space<vmem_shared>> -> memref<10000x128xf32, #tpu.memory_space<vmem_shared>>
        tpu.enqueue_indirect_dma source(%dma_start3A_277 : memref<125x128xf32, #tpu.memory_space<vmem>>) target(%dma_start3A_283 : memref<10000x128xf32, #tpu.memory_space<vmem_shared>>) offsets(%dma_start3A_280 : memref<125xi32, #tpu.memory_space<vmem>>) semaphore(%run_scoped3A_273 : memref<!tpu.dma_semaphore, #tpu.memory_space<semaphore_mem>>) {add = true}
        %dma_wait3A_284 = arith.constant 0 : i32
        %dma_wait3A_285 = arith.constant 0 : i32
        %dma_wait3A_286 = tpu.memref_slice %arg7[%run_scoped3A_222, %dma_wait3A_284, %dma_wait3A_285] : memref<2x125x128xf32, #tpu.memory_space<vmem>> -> memref<1x125x128xf32, #tpu.memory_space<vmem>>
        %dma_wait3A_287 = tpu.memref_squeeze %dma_wait3A_286 : memref<1x125x128xf32, #tpu.memory_space<vmem>> -> memref<125x128xf32, #tpu.memory_space<vmem>>
        %dma_wait3A_288 = arith.constant 0 : i32
        %dma_wait3A_289 = tpu.memref_slice %arg6[%run_scoped3A_223, %run_scoped3A_224, %dma_wait3A_288] : memref<4x2x125xi32, #tpu.memory_space<vmem>> -> memref<1x1x125xi32, #tpu.memory_space<vmem>>
        %dma_wait3A_290 = tpu.memref_squeeze %dma_wait3A_289 : memref<1x1x125xi32, #tpu.memory_space<vmem>> -> memref<125xi32, #tpu.memory_space<vmem>>
        %dma_wait3A_291 = arith.constant 0 : i32
        %dma_wait3A_292 = arith.constant 0 : i32
        %dma_wait3A_293 = tpu.memref_slice %arg8[%dma_wait3A_291, %dma_wait3A_292] : memref<10000x128xf32, #tpu.memory_space<vmem_shared>> -> memref<10000x128xf32, #tpu.memory_space<vmem_shared>>
        tpu.wait_indirect_dma semaphore(%run_scoped3A_273 : memref<!tpu.dma_semaphore, #tpu.memory_space<semaphore_mem>>) src(%dma_wait3A_287 : memref<125x128xf32, #tpu.memory_space<vmem>>) dst(%dma_wait3A_293 : memref<10000x128xf32, #tpu.memory_space<vmem_shared>>)
        tpu.yield
      }) : () -> ()
      %add3A_225 = arith.constant 4 : i32
      %add3A_226 = arith.addi %add3A_208, %add3A_225 : i32
      %lt3A_227 = arith.constant 80 : i32
      %lt3A_228 = arith.cmpi slt, %add3A_226, %lt3A_227 : i32
      %convert_element_type3A_229 = arith.extui %lt3A_228 : i1 to i32
      %cond3A_230 = arith.constant 0 : i32
      %cond3A_231 = arith.cmpi ne, %convert_element_type3A_229, %cond3A_230 : i32
      scf.if %cond3A_231 {
        %add3A_273 = arith.constant 4 : i32
        %add3A_274 = arith.addi %add3A_208, %add3A_273 : i32
        %dma_start3A_275 = arith.constant 2 : i32
        %dma_start3A_276 = arith.constant 0 : i32
        %dma_start3A_277 = arith.constant 0 : i32
        %dma_start3A_278 = tpu.memref_slice %arg6[%dma_start3A_275, %dma_start3A_276, %dma_start3A_277] : memref<4x2x125xi32, #tpu.memory_space<vmem>> -> memref<1x2x125xi32, #tpu.memory_space<vmem>>
        %dma_start3A_279 = tpu.memref_squeeze %dma_start3A_278 : memref<1x2x125xi32, #tpu.memory_space<vmem>> -> memref<2x125xi32, #tpu.memory_space<vmem>>
        %dma_start3A_280 = arith.constant 0 : i32
        %dma_start3A_281 = arith.constant 0 : i32
        %dma_start3A_282 = tpu.memref_slice %arg2[%arg0, %arg1, %add3A_274, %dma_start3A_280, %dma_start3A_281] : memref<2x16x80x2x125xi32, #tpu.memory_space<hbm>> -> memref<1x1x1x2x125xi32, #tpu.memory_space<hbm>>
        %dma_start3A_283 = tpu.memref_squeeze %dma_start3A_282 : memref<1x1x1x2x125xi32, #tpu.memory_space<hbm>> -> memref<2x125xi32, #tpu.memory_space<hbm>>
        %dma_start3A_284 = arith.constant 0 : i32
        %dma_start3A_285 = arith.constant 0 : i32
        %dma_start3A_286 = tpu.memref_slice %arg6[%dma_start3A_275, %dma_start3A_284, %dma_start3A_285] : memref<4x2x125xi32, #tpu.memory_space<vmem>> -> memref<1x2x125xi32, #tpu.memory_space<vmem>>
        %dma_start3A_287 = tpu.memref_squeeze %dma_start3A_286 : memref<1x2x125xi32, #tpu.memory_space<vmem>> -> memref<2x125xi32, #tpu.memory_space<vmem>>
        %dma_start3A_288 = arith.constant 0 : i32
        %dma_start3A_289 = arith.constant 0 : i32
        %dma_start3A_290 = tpu.memref_slice %arg2[%arg0, %arg1, %add3A_274, %dma_start3A_288, %dma_start3A_289] : memref<2x16x80x2x125xi32, #tpu.memory_space<hbm>> -> memref<1x1x1x2x125xi32, #tpu.memory_space<hbm>>
        %dma_start3A_291 = tpu.memref_squeeze %dma_start3A_290 : memref<1x1x1x2x125xi32, #tpu.memory_space<hbm>> -> memref<2x125xi32, #tpu.memory_space<hbm>>
        tpu.enqueue_dma source(%dma_start3A_291 : memref<2x125xi32, #tpu.memory_space<hbm>>) target(%dma_start3A_287 : memref<2x125xi32, #tpu.memory_space<vmem>>) target_semaphore(%arg11 : memref<!tpu.dma_semaphore, #tpu.memory_space<semaphore_mem>>)
      } else {
      }
      %add3A_232 = arith.constant 2 : i32
      %add3A_233 = arith.addi %add3A_208, %add3A_232 : i32
      %lt3A_234 = arith.constant 80 : i32
      %lt3A_235 = arith.cmpi slt, %add3A_233, %lt3A_234 : i32
      %convert_element_type3A_236 = arith.extui %lt3A_235 : i1 to i32
      %cond3A_237 = arith.constant 0 : i32
      %cond3A_238 = arith.cmpi ne, %convert_element_type3A_236, %cond3A_237 : i32
      scf.if %cond3A_238 {
        %dma_wait3A_273 = arith.constant 0 : i32
        %dma_wait3A_274 = arith.constant 0 : i32
        %dma_wait3A_275 = arith.constant 0 : i32
        %dma_wait3A_276 = arith.constant 0 : i32
        %dma_wait3A_277 = tpu.memref_slice %arg6[%dma_wait3A_274, %dma_wait3A_275, %dma_wait3A_276] : memref<4x2x125xi32, #tpu.memory_space<vmem>> -> memref<1x2x125xi32, #tpu.memory_space<vmem>>
        %dma_wait3A_278 = tpu.memref_squeeze %dma_wait3A_277 : memref<1x2x125xi32, #tpu.memory_space<vmem>> -> memref<2x125xi32, #tpu.memory_space<vmem>>
        %dma_wait3A_279 = arith.constant 0 : i32
        %dma_wait3A_280 = arith.constant 0 : i32
        %dma_wait3A_281 = tpu.memref_slice %arg2[%arg0, %arg1, %dma_wait3A_273, %dma_wait3A_279, %dma_wait3A_280] : memref<2x16x80x2x125xi32, #tpu.memory_space<hbm>> -> memref<1x1x1x2x125xi32, #tpu.memory_space<hbm>>
        %dma_wait3A_282 = tpu.memref_squeeze %dma_wait3A_281 : memref<1x1x1x2x125xi32, #tpu.memory_space<hbm>> -> memref<2x125xi32, #tpu.memory_space<hbm>>
        %dma_wait3A_283 = arith.constant 0 : i32
        %dma_wait3A_284 = arith.constant 0 : i32
        %dma_wait3A_285 = tpu.memref_slice %arg6[%dma_wait3A_274, %dma_wait3A_283, %dma_wait3A_284] : memref<4x2x125xi32, #tpu.memory_space<vmem>> -> memref<1x2x125xi32, #tpu.memory_space<vmem>>
        %dma_wait3A_286 = tpu.memref_squeeze %dma_wait3A_285 : memref<1x2x125xi32, #tpu.memory_space<vmem>> -> memref<2x125xi32, #tpu.memory_space<vmem>>
        %dma_wait3A_287 = arith.constant 0 : i32
        %dma_wait3A_288 = arith.constant 0 : i32
        %dma_wait3A_289 = tpu.memref_slice %arg2[%arg0, %arg1, %dma_wait3A_273, %dma_wait3A_287, %dma_wait3A_288] : memref<2x16x80x2x125xi32, #tpu.memory_space<hbm>> -> memref<1x1x1x2x125xi32, #tpu.memory_space<hbm>>
        %dma_wait3A_290 = tpu.memref_squeeze %dma_wait3A_289 : memref<1x1x1x2x125xi32, #tpu.memory_space<hbm>> -> memref<2x125xi32, #tpu.memory_space<hbm>>
        tpu.wait_dma2 semaphore(%arg9 : memref<!tpu.dma_semaphore, #tpu.memory_space<semaphore_mem>>) src(%dma_wait3A_290 : memref<2x125xi32, #tpu.memory_space<hbm>>) dst(%dma_wait3A_286 : memref<2x125xi32, #tpu.memory_space<vmem>>)
        %dma_start3A_291 = arith.constant 0 : i32
        %dma_start3A_292 = arith.constant 0 : i32
        %dma_start3A_293 = arith.constant 0 : i32
        %dma_start3A_294 = arith.constant 0 : i32
        %dma_start3A_295 = arith.constant 0 : i32
        %dma_start3A_296 = tpu.memref_slice %arg7[%dma_start3A_293, %dma_start3A_294, %dma_start3A_295] : memref<2x125x128xf32, #tpu.memory_space<vmem>> -> memref<1x125x128xf32, #tpu.memory_space<vmem>>
        %dma_start3A_297 = tpu.memref_squeeze %dma_start3A_296 : memref<1x125x128xf32, #tpu.memory_space<vmem>> -> memref<125x128xf32, #tpu.memory_space<vmem>>
        %dma_start3A_298 = arith.constant 0 : i32
        %dma_start3A_299 = tpu.memref_slice %arg6[%dma_start3A_291, %dma_start3A_292, %dma_start3A_298] : memref<4x2x125xi32, #tpu.memory_space<vmem>> -> memref<1x1x125xi32, #tpu.memory_space<vmem>>
        %dma_start3A_300 = tpu.memref_squeeze %dma_start3A_299 : memref<1x1x125xi32, #tpu.memory_space<vmem>> -> memref<125xi32, #tpu.memory_space<vmem>>
        %dma_start3A_301 = arith.constant 0 : i32
        %dma_start3A_302 = arith.constant 0 : i32
        %dma_start3A_303 = tpu.memref_slice %arg3[%dma_start3A_301, %dma_start3A_302] : memref<10000x128xf32, #tpu.memory_space<hbm>> -> memref<10000x128xf32, #tpu.memory_space<hbm>>
        tpu.enqueue_indirect_dma source(%dma_start3A_303 : memref<10000x128xf32, #tpu.memory_space<hbm>>) target(%dma_start3A_297 : memref<125x128xf32, #tpu.memory_space<vmem>>) offsets(%dma_start3A_300 : memref<125xi32, #tpu.memory_space<vmem>>) semaphore(%arg13 : memref<!tpu.dma_semaphore, #tpu.memory_space<semaphore_mem>>)
      } else {
      }
      %mul3A_239 = arith.constant 4 : i32
      %mul3A_240 = arith.muli %scan3A_141, %mul3A_239 : i32
      %add3A_241 = arith.constant 3 : i32
      %add3A_242 = arith.addi %mul3A_240, %add3A_241 : i32
      %dma_wait3A_243 = arith.constant 3 : i32
      %dma_wait3A_244 = arith.constant 0 : i32
      %dma_wait3A_245 = arith.constant 1 : i32
      %dma_wait3A_246 = arith.constant 0 : i32
      %dma_wait3A_247 = arith.constant 0 : i32
      %dma_wait3A_248 = tpu.memref_slice %arg7[%dma_wait3A_245, %dma_wait3A_246, %dma_wait3A_247] : memref<2x125x128xf32, #tpu.memory_space<vmem>> -> memref<1x125x128xf32, #tpu.memory_space<vmem>>
      %dma_wait3A_249 = tpu.memref_squeeze %dma_wait3A_248 : memref<1x125x128xf32, #tpu.memory_space<vmem>> -> memref<125x128xf32, #tpu.memory_space<vmem>>
      %dma_wait3A_250 = arith.constant 0 : i32
      %dma_wait3A_251 = tpu.memref_slice %arg6[%dma_wait3A_243, %dma_wait3A_244, %dma_wait3A_250] : memref<4x2x125xi32, #tpu.memory_space<vmem>> -> memref<1x1x125xi32, #tpu.memory_space<vmem>>
      %dma_wait3A_252 = tpu.memref_squeeze %dma_wait3A_251 : memref<1x1x125xi32, #tpu.memory_space<vmem>> -> memref<125xi32, #tpu.memory_space<vmem>>
      %dma_wait3A_253 = arith.constant 0 : i32
      %dma_wait3A_254 = arith.constant 0 : i32
      %dma_wait3A_255 = tpu.memref_slice %arg3[%dma_wait3A_253, %dma_wait3A_254] : memref<10000x128xf32, #tpu.memory_space<hbm>> -> memref<10000x128xf32, #tpu.memory_space<hbm>>
      tpu.wait_indirect_dma semaphore(%arg14 : memref<!tpu.dma_semaphore, #tpu.memory_space<semaphore_mem>>) src(%dma_wait3A_255 : memref<10000x128xf32, #tpu.memory_space<hbm>>) dst(%dma_wait3A_249 : memref<125x128xf32, #tpu.memory_space<vmem>>)
      %run_scoped3A_256 = arith.constant 1 : i32
      %run_scoped3A_257 = arith.constant 3 : i32
      %run_scoped3A_258 = arith.constant 1 : i32
      "tpu.region"() ({
        %run_scoped3A_273 = tpu.sem_alloc : memref<!tpu.dma_semaphore, #tpu.memory_space<semaphore_mem>>
        %dma_start3A_274 = arith.constant 0 : i32
        %dma_start3A_275 = arith.constant 0 : i32
        %dma_start3A_276 = tpu.memref_slice %arg7[%run_scoped3A_256, %dma_start3A_274, %dma_start3A_275] : memref<2x125x128xf32, #tpu.memory_space<vmem>> -> memref<1x125x128xf32, #tpu.memory_space<vmem>>
        %dma_start3A_277 = tpu.memref_squeeze %dma_start3A_276 : memref<1x125x128xf32, #tpu.memory_space<vmem>> -> memref<125x128xf32, #tpu.memory_space<vmem>>
        %dma_start3A_278 = arith.constant 0 : i32
        %dma_start3A_279 = tpu.memref_slice %arg6[%run_scoped3A_257, %run_scoped3A_258, %dma_start3A_278] : memref<4x2x125xi32, #tpu.memory_space<vmem>> -> memref<1x1x125xi32, #tpu.memory_space<vmem>>
        %dma_start3A_280 = tpu.memref_squeeze %dma_start3A_279 : memref<1x1x125xi32, #tpu.memory_space<vmem>> -> memref<125xi32, #tpu.memory_space<vmem>>
        %dma_start3A_281 = arith.constant 0 : i32
        %dma_start3A_282 = arith.constant 0 : i32
        %dma_start3A_283 = tpu.memref_slice %arg8[%dma_start3A_281, %dma_start3A_282] : memref<10000x128xf32, #tpu.memory_space<vmem_shared>> -> memref<10000x128xf32, #tpu.memory_space<vmem_shared>>
        tpu.enqueue_indirect_dma source(%dma_start3A_277 : memref<125x128xf32, #tpu.memory_space<vmem>>) target(%dma_start3A_283 : memref<10000x128xf32, #tpu.memory_space<vmem_shared>>) offsets(%dma_start3A_280 : memref<125xi32, #tpu.memory_space<vmem>>) semaphore(%run_scoped3A_273 : memref<!tpu.dma_semaphore, #tpu.memory_space<semaphore_mem>>) {add = true}
        %dma_wait3A_284 = arith.constant 0 : i32
        %dma_wait3A_285 = arith.constant 0 : i32
        %dma_wait3A_286 = tpu.memref_slice %arg7[%run_scoped3A_256, %dma_wait3A_284, %dma_wait3A_285] : memref<2x125x128xf32, #tpu.memory_space<vmem>> -> memref<1x125x128xf32, #tpu.memory_space<vmem>>
        %dma_wait3A_287 = tpu.memref_squeeze %dma_wait3A_286 : memref<1x125x128xf32, #tpu.memory_space<vmem>> -> memref<125x128xf32, #tpu.memory_space<vmem>>
        %dma_wait3A_288 = arith.constant 0 : i32
        %dma_wait3A_289 = tpu.memref_slice %arg6[%run_scoped3A_257, %run_scoped3A_258, %dma_wait3A_288] : memref<4x2x125xi32, #tpu.memory_space<vmem>> -> memref<1x1x125xi32, #tpu.memory_space<vmem>>
        %dma_wait3A_290 = tpu.memref_squeeze %dma_wait3A_289 : memref<1x1x125xi32, #tpu.memory_space<vmem>> -> memref<125xi32, #tpu.memory_space<vmem>>
        %dma_wait3A_291 = arith.constant 0 : i32
        %dma_wait3A_292 = arith.constant 0 : i32
        %dma_wait3A_293 = tpu.memref_slice %arg8[%dma_wait3A_291, %dma_wait3A_292] : memref<10000x128xf32, #tpu.memory_space<vmem_shared>> -> memref<10000x128xf32, #tpu.memory_space<vmem_shared>>
        tpu.wait_indirect_dma semaphore(%run_scoped3A_273 : memref<!tpu.dma_semaphore, #tpu.memory_space<semaphore_mem>>) src(%dma_wait3A_287 : memref<125x128xf32, #tpu.memory_space<vmem>>) dst(%dma_wait3A_293 : memref<10000x128xf32, #tpu.memory_space<vmem_shared>>)
        tpu.yield
      }) : () -> ()
      %add3A_259 = arith.constant 4 : i32
      %add3A_260 = arith.addi %add3A_242, %add3A_259 : i32
      %lt3A_261 = arith.constant 80 : i32
      %lt3A_262 = arith.cmpi slt, %add3A_260, %lt3A_261 : i32
      %convert_element_type3A_263 = arith.extui %lt3A_262 : i1 to i32
      %cond3A_264 = arith.constant 0 : i32
      %cond3A_265 = arith.cmpi ne, %convert_element_type3A_263, %cond3A_264 : i32
      scf.if %cond3A_265 {
        %add3A_273 = arith.constant 4 : i32
        %add3A_274 = arith.addi %add3A_242, %add3A_273 : i32
        %dma_start3A_275 = arith.constant 3 : i32
        %dma_start3A_276 = arith.constant 0 : i32
        %dma_start3A_277 = arith.constant 0 : i32
        %dma_start3A_278 = tpu.memref_slice %arg6[%dma_start3A_275, %dma_start3A_276, %dma_start3A_277] : memref<4x2x125xi32, #tpu.memory_space<vmem>> -> memref<1x2x125xi32, #tpu.memory_space<vmem>>
        %dma_start3A_279 = tpu.memref_squeeze %dma_start3A_278 : memref<1x2x125xi32, #tpu.memory_space<vmem>> -> memref<2x125xi32, #tpu.memory_space<vmem>>
        %dma_start3A_280 = arith.constant 0 : i32
        %dma_start3A_281 = arith.constant 0 : i32
        %dma_start3A_282 = tpu.memref_slice %arg2[%arg0, %arg1, %add3A_274, %dma_start3A_280, %dma_start3A_281] : memref<2x16x80x2x125xi32, #tpu.memory_space<hbm>> -> memref<1x1x1x2x125xi32, #tpu.memory_space<hbm>>
        %dma_start3A_283 = tpu.memref_squeeze %dma_start3A_282 : memref<1x1x1x2x125xi32, #tpu.memory_space<hbm>> -> memref<2x125xi32, #tpu.memory_space<hbm>>
        %dma_start3A_284 = arith.constant 0 : i32
        %dma_start3A_285 = arith.constant 0 : i32
        %dma_start3A_286 = tpu.memref_slice %arg6[%dma_start3A_275, %dma_start3A_284, %dma_start3A_285] : memref<4x2x125xi32, #tpu.memory_space<vmem>> -> memref<1x2x125xi32, #tpu.memory_space<vmem>>
        %dma_start3A_287 = tpu.memref_squeeze %dma_start3A_286 : memref<1x2x125xi32, #tpu.memory_space<vmem>> -> memref<2x125xi32, #tpu.memory_space<vmem>>
        %dma_start3A_288 = arith.constant 0 : i32
        %dma_start3A_289 = arith.constant 0 : i32
        %dma_start3A_290 = tpu.memref_slice %arg2[%arg0, %arg1, %add3A_274, %dma_start3A_288, %dma_start3A_289] : memref<2x16x80x2x125xi32, #tpu.memory_space<hbm>> -> memref<1x1x1x2x125xi32, #tpu.memory_space<hbm>>
        %dma_start3A_291 = tpu.memref_squeeze %dma_start3A_290 : memref<1x1x1x2x125xi32, #tpu.memory_space<hbm>> -> memref<2x125xi32, #tpu.memory_space<hbm>>
        tpu.enqueue_dma source(%dma_start3A_291 : memref<2x125xi32, #tpu.memory_space<hbm>>) target(%dma_start3A_287 : memref<2x125xi32, #tpu.memory_space<vmem>>) target_semaphore(%arg12 : memref<!tpu.dma_semaphore, #tpu.memory_space<semaphore_mem>>)
      } else {
      }
      %add3A_266 = arith.constant 2 : i32
      %add3A_267 = arith.addi %add3A_242, %add3A_266 : i32
      %lt3A_268 = arith.constant 80 : i32
      %lt3A_269 = arith.cmpi slt, %add3A_267, %lt3A_268 : i32
      %convert_element_type3A_270 = arith.extui %lt3A_269 : i1 to i32
      %cond3A_271 = arith.constant 0 : i32
      %cond3A_272 = arith.cmpi ne, %convert_element_type3A_270, %cond3A_271 : i32
      scf.if %cond3A_272 {
        %dma_wait3A_273 = arith.constant 0 : i32
        %dma_wait3A_274 = arith.constant 1 : i32
        %dma_wait3A_275 = arith.constant 0 : i32
        %dma_wait3A_276 = arith.constant 0 : i32
        %dma_wait3A_277 = tpu.memref_slice %arg6[%dma_wait3A_274, %dma_wait3A_275, %dma_wait3A_276] : memref<4x2x125xi32, #tpu.memory_space<vmem>> -> memref<1x2x125xi32, #tpu.memory_space<vmem>>
        %dma_wait3A_278 = tpu.memref_squeeze %dma_wait3A_277 : memref<1x2x125xi32, #tpu.memory_space<vmem>> -> memref<2x125xi32, #tpu.memory_space<vmem>>
        %dma_wait3A_279 = arith.constant 0 : i32
        %dma_wait3A_280 = arith.constant 0 : i32
        %dma_wait3A_281 = tpu.memref_slice %arg2[%arg0, %arg1, %dma_wait3A_273, %dma_wait3A_279, %dma_wait3A_280] : memref<2x16x80x2x125xi32, #tpu.memory_space<hbm>> -> memref<1x1x1x2x125xi32, #tpu.memory_space<hbm>>
        %dma_wait3A_282 = tpu.memref_squeeze %dma_wait3A_281 : memref<1x1x1x2x125xi32, #tpu.memory_space<hbm>> -> memref<2x125xi32, #tpu.memory_space<hbm>>
        %dma_wait3A_283 = arith.constant 0 : i32
        %dma_wait3A_284 = arith.constant 0 : i32
        %dma_wait3A_285 = tpu.memref_slice %arg6[%dma_wait3A_274, %dma_wait3A_283, %dma_wait3A_284] : memref<4x2x125xi32, #tpu.memory_space<vmem>> -> memref<1x2x125xi32, #tpu.memory_space<vmem>>
        %dma_wait3A_286 = tpu.memref_squeeze %dma_wait3A_285 : memref<1x2x125xi32, #tpu.memory_space<vmem>> -> memref<2x125xi32, #tpu.memory_space<vmem>>
        %dma_wait3A_287 = arith.constant 0 : i32
        %dma_wait3A_288 = arith.constant 0 : i32
        %dma_wait3A_289 = tpu.memref_slice %arg2[%arg0, %arg1, %dma_wait3A_273, %dma_wait3A_287, %dma_wait3A_288] : memref<2x16x80x2x125xi32, #tpu.memory_space<hbm>> -> memref<1x1x1x2x125xi32, #tpu.memory_space<hbm>>
        %dma_wait3A_290 = tpu.memref_squeeze %dma_wait3A_289 : memref<1x1x1x2x125xi32, #tpu.memory_space<hbm>> -> memref<2x125xi32, #tpu.memory_space<hbm>>
        tpu.wait_dma2 semaphore(%arg10 : memref<!tpu.dma_semaphore, #tpu.memory_space<semaphore_mem>>) src(%dma_wait3A_290 : memref<2x125xi32, #tpu.memory_space<hbm>>) dst(%dma_wait3A_286 : memref<2x125xi32, #tpu.memory_space<vmem>>)
        %dma_start3A_291 = arith.constant 1 : i32
        %dma_start3A_292 = arith.constant 0 : i32
        %dma_start3A_293 = arith.constant 1 : i32
        %dma_start3A_294 = arith.constant 0 : i32
        %dma_start3A_295 = arith.constant 0 : i32
        %dma_start3A_296 = tpu.memref_slice %arg7[%dma_start3A_293, %dma_start3A_294, %dma_start3A_295] : memref<2x125x128xf32, #tpu.memory_space<vmem>> -> memref<1x125x128xf32, #tpu.memory_space<vmem>>
        %dma_start3A_297 = tpu.memref_squeeze %dma_start3A_296 : memref<1x125x128xf32, #tpu.memory_space<vmem>> -> memref<125x128xf32, #tpu.memory_space<vmem>>
        %dma_start3A_298 = arith.constant 0 : i32
        %dma_start3A_299 = tpu.memref_slice %arg6[%dma_start3A_291, %dma_start3A_292, %dma_start3A_298] : memref<4x2x125xi32, #tpu.memory_space<vmem>> -> memref<1x1x125xi32, #tpu.memory_space<vmem>>
        %dma_start3A_300 = tpu.memref_squeeze %dma_start3A_299 : memref<1x1x125xi32, #tpu.memory_space<vmem>> -> memref<125xi32, #tpu.memory_space<vmem>>
        %dma_start3A_301 = arith.constant 0 : i32
        %dma_start3A_302 = arith.constant 0 : i32
        %dma_start3A_303 = tpu.memref_slice %arg3[%dma_start3A_301, %dma_start3A_302] : memref<10000x128xf32, #tpu.memory_space<hbm>> -> memref<10000x128xf32, #tpu.memory_space<hbm>>
        tpu.enqueue_indirect_dma source(%dma_start3A_303 : memref<10000x128xf32, #tpu.memory_space<hbm>>) target(%dma_start3A_297 : memref<125x128xf32, #tpu.memory_space<vmem>>) offsets(%dma_start3A_300 : memref<125xi32, #tpu.memory_space<vmem>>) semaphore(%arg14 : memref<!tpu.dma_semaphore, #tpu.memory_space<semaphore_mem>>)
      } else {
      }
    }
    %scan3A_137 = arith.constant 20 : i32
    %barrier3A_138 = arith.constant 0 : index
    tpu.barrier barrier_id(%barrier3A_138)
    %mul3A_139 = arith.constant 625 : i32
    %mul3A_140 = arith.muli %arg1, %mul3A_139 : i32
    "tpu.region"() ({
      %run_scoped3A = tpu.sem_alloc : memref<!tpu.dma_semaphore, #tpu.memory_space<semaphore_mem>>
      %dma_start3A_141 = arith.constant 0 : i32
      %dma_start3A_142 = arith.constant 0 : i32
      %dma_start3A_143 = tpu.memref_slice %arg5[%arg0, %arg1, %dma_start3A_141, %dma_start3A_142] : memref<2x16x625x128xf32, #tpu.memory_space<hbm>> -> memref<1x1x625x128xf32, #tpu.memory_space<hbm>>
      %dma_start3A_144 = tpu.memref_squeeze %dma_start3A_143 : memref<1x1x625x128xf32, #tpu.memory_space<hbm>> -> memref<625x128xf32, #tpu.memory_space<hbm>>
      %dma_start3A_145 = arith.constant 0 : i32
      %dma_start3A_146 = tpu.memref_slice %arg8[%mul3A_140, %dma_start3A_145] : memref<10000x128xf32, #tpu.memory_space<vmem_shared>> -> memref<625x128xf32, #tpu.memory_space<vmem_shared>>
      tpu.enqueue_dma source(%dma_start3A_146 : memref<625x128xf32, #tpu.memory_space<vmem_shared>>) target(%dma_start3A_144 : memref<625x128xf32, #tpu.memory_space<hbm>>) target_semaphore(%run_scoped3A : memref<!tpu.dma_semaphore, #tpu.memory_space<semaphore_mem>>)
      %dma_wait3A_147 = arith.constant 0 : i32
      %dma_wait3A_148 = arith.constant 0 : i32
      %dma_wait3A_149 = tpu.memref_slice %arg5[%arg0, %arg1, %dma_wait3A_147, %dma_wait3A_148] : memref<2x16x625x128xf32, #tpu.memory_space<hbm>> -> memref<1x1x625x128xf32, #tpu.memory_space<hbm>>
      %dma_wait3A_150 = tpu.memref_squeeze %dma_wait3A_149 : memref<1x1x625x128xf32, #tpu.memory_space<hbm>> -> memref<625x128xf32, #tpu.memory_space<hbm>>
      %dma_wait3A_151 = arith.constant 0 : i32
      %dma_wait3A_152 = tpu.memref_slice %arg8[%mul3A_140, %dma_wait3A_151] : memref<10000x128xf32, #tpu.memory_space<vmem_shared>> -> memref<625x128xf32, #tpu.memory_space<vmem_shared>>
      tpu.wait_dma2 semaphore(%run_scoped3A : memref<!tpu.dma_semaphore, #tpu.memory_space<semaphore_mem>>) src(%dma_wait3A_152 : memref<625x128xf32, #tpu.memory_space<vmem_shared>>) dst(%dma_wait3A_150 : memref<625x128xf32, #tpu.memory_space<hbm>>)
      tpu.yield
    }) : () -> ()
    return
  }
}

module attributes {stable_mosaic.version = 14 : i64} {
  func.func @_mm_body(%arg0: memref<10000x128xf32, #tpu.memory_space<vmem>>, %arg1: memref<128x128xf32, #tpu.memory_space<vmem>>, %arg2: memref<2x10000x128xf32, #tpu.memory_space<vmem>>, %arg3: memref<10000x128xf32, #tpu.memory_space<vmem>>, %arg4: memref<10000x1xf32, #tpu.memory_space<vmem>>) attributes {dimension_semantics = [], scalar_prefetch = 0 : i64, scratch_operands = 0 : i64, tpu.core_type = #tpu.core_type<tc>} {
    %get3A = arith.constant 0 : index
    %get3A_0 = arith.constant 0 : index
    %get3A_1 = arith.constant 0 : index
    %get3A_2 = vector.load %arg2[%get3A, %get3A_0, %get3A_1] : memref<2x10000x128xf32, #tpu.memory_space<vmem>>, vector<1x10000x128xf32>
    %get3A_3 = vector.shape_cast %get3A_2 : vector<1x10000x128xf32> to vector<10000x128xf32>
    %slice3A = vector.extract_strided_slice %get3A_3 {offsets = [0, 0], sizes = [10000, 1], strides = [1, 1]} : vector<10000x128xf32> to vector<10000x1xf32>
    %get3A_4 = arith.constant 1 : index
    %get3A_5 = arith.constant 0 : index
    %get3A_6 = arith.constant 0 : index
    %get3A_7 = vector.load %arg2[%get3A_4, %get3A_5, %get3A_6] : memref<2x10000x128xf32, #tpu.memory_space<vmem>>, vector<1x10000x128xf32>
    %get3A_8 = vector.shape_cast %get3A_7 : vector<1x10000x128xf32> to vector<10000x128xf32>
    %slice3A_9 = vector.extract_strided_slice %get3A_8 {offsets = [0, 0], sizes = [10000, 1], strides = [1, 1]} : vector<10000x128xf32> to vector<10000x1xf32>
    %add3A = arith.addf %slice3A, %slice3A_9 : vector<10000x1xf32>
    %add3A_10 = arith.constant 1.000000e+00 : f32
    %add3A_11 = vector.broadcast %add3A_10 : f32 to vector<10000x1xf32>
    %add3A_12 = arith.addf %add3A, %add3A_11 : vector<10000x1xf32>
    %rsqrt3A = math.rsqrt %add3A_12 : vector<10000x1xf32>
    %get3A_13 = arith.constant 0 : index
    %get3A_14 = arith.constant 0 : index
    %get3A_15 = vector.load %arg0[%get3A_13, %get3A_14] : memref<10000x128xf32, #tpu.memory_space<vmem>>, vector<10000x128xf32>
    %get3A_16 = arith.constant 0 : index
    %get3A_17 = arith.constant 0 : index
    %get3A_18 = vector.load %arg1[%get3A_16, %get3A_17] : memref<128x128xf32, #tpu.memory_space<vmem>>, vector<128x128xf32>
    %dot_general3A = arith.constant dense<0.000000e+00> : vector<10000x128xf32>
    %dot_general3A_19 = tpu.matmul %get3A_15, %get3A_18, %dot_general3A {dimension_numbers = #tpu.dot_dimension_numbers<[1], [0], [0], [1], [0, 0, 1, 1], [], []>, transpose_lhs_hint = false} : vector<10000x128xf32>, vector<128x128xf32>, vector<10000x128xf32> -> vector<10000x128xf32>
    %mul3A = vector.broadcast %rsqrt3A : vector<10000x1xf32> to vector<10000x128xf32>
    %mul3A_20 = arith.mulf %dot_general3A_19, %mul3A : vector<10000x128xf32>
    %swap3A = arith.constant 0 : index
    %swap3A_21 = arith.constant 0 : index
    %swap3A_22 = vector.load %arg3[%swap3A, %swap3A_21] : memref<10000x128xf32, #tpu.memory_space<vmem>>, vector<10000x128xf32>
    tpu.vector_store %arg3[%swap3A, %swap3A_21], %mul3A_20 {strides = array<i32>} : memref<10000x128xf32, #tpu.memory_space<vmem>>, vector<10000x128xf32>,
    %swap3A_23 = arith.constant 0 : index
    %swap3A_24 = arith.constant 0 : index
    %swap3A_25 = vector.load %arg4[%swap3A_23, %swap3A_24] : memref<10000x1xf32, #tpu.memory_space<vmem>>, vector<10000x1xf32>
    tpu.vector_store %arg4[%swap3A_23, %swap3A_24], %rsqrt3A {strides = array<i32>} : memref<10000x1xf32, #tpu.memory_space<vmem>>, vector<10000x1xf32>,
    return
  }
}

module attributes {stable_mosaic.version = 14 : i64} {
  func.func @_mlp_body(%arg0: memref<2x10000x128xf32, #tpu.memory_space<vmem>>, %arg1: memref<10000x128xf32, #tpu.memory_space<vmem>>, %arg2: memref<10000x1xf32, #tpu.memory_space<vmem>>, %arg3: memref<10000x128xf32, #tpu.memory_space<vmem>>, %arg4: memref<1x128xf32, #tpu.memory_space<vmem>>, %arg5: memref<128x32xf32, #tpu.memory_space<vmem>>, %arg6: memref<1x32xf32, #tpu.memory_space<vmem>>, %arg7: memref<32x32xf32, #tpu.memory_space<vmem>>, %arg8: memref<1x32xf32, #tpu.memory_space<vmem>>, %arg9: memref<32x1xf32, #tpu.memory_space<vmem>>, %arg10: memref<1x1xf32, #tpu.memory_space<vmem>>, %arg11: memref<10000x1xf32, #tpu.memory_space<vmem>>) attributes {dimension_semantics = [], scalar_prefetch = 0 : i64, scratch_operands = 0 : i64, tpu.core_type = #tpu.core_type<tc>} {
    %get3A = arith.constant 0 : index
    %get3A_0 = arith.constant 0 : index
    %get3A_1 = arith.constant 0 : index
    %get3A_2 = vector.load %arg0[%get3A, %get3A_0, %get3A_1] : memref<2x10000x128xf32, #tpu.memory_space<vmem>>, vector<1x10000x128xf32>
    %get3A_3 = vector.shape_cast %get3A_2 : vector<1x10000x128xf32> to vector<10000x128xf32>
    %get3A_4 = arith.constant 1 : index
    %get3A_5 = arith.constant 0 : index
    %get3A_6 = arith.constant 0 : index
    %get3A_7 = vector.load %arg0[%get3A_4, %get3A_5, %get3A_6] : memref<2x10000x128xf32, #tpu.memory_space<vmem>>, vector<1x10000x128xf32>
    %get3A_8 = vector.shape_cast %get3A_7 : vector<1x10000x128xf32> to vector<10000x128xf32>
    %add3A = arith.addf %get3A_3, %get3A_8 : vector<10000x128xf32>
    %get3A_9 = arith.constant 0 : index
    %get3A_10 = arith.constant 0 : index
    %get3A_11 = vector.load %arg1[%get3A_9, %get3A_10] : memref<10000x128xf32, #tpu.memory_space<vmem>>, vector<10000x128xf32>
    %add3A_12 = arith.addf %add3A, %get3A_11 : vector<10000x128xf32>
    %get3A_13 = arith.constant 0 : index
    %get3A_14 = arith.constant 0 : index
    %get3A_15 = vector.load %arg2[%get3A_13, %get3A_14] : memref<10000x1xf32, #tpu.memory_space<vmem>>, vector<10000x1xf32>
    %mul3A = vector.broadcast %get3A_15 : vector<10000x1xf32> to vector<10000x128xf32>
    %mul3A_16 = arith.mulf %add3A_12, %mul3A : vector<10000x128xf32>
    %get3A_17 = arith.constant 0 : index
    %get3A_18 = arith.constant 0 : index
    %get3A_19 = vector.load %arg4[%get3A_17, %get3A_18] : memref<1x128xf32, #tpu.memory_space<vmem>>, vector<1x128xf32>
    %add3A_20 = vector.broadcast %get3A_19 : vector<1x128xf32> to vector<10000x128xf32>
    %add3A_21 = arith.addf %mul3A_16, %add3A_20 : vector<10000x128xf32>
    %max3A = arith.constant 0.000000e+00 : f32
    %max3A_22 = vector.broadcast %max3A : f32 to vector<10000x128xf32>
    %max3A_23 = arith.maximumf %add3A_21, %max3A_22 : vector<10000x128xf32>
    %get3A_24 = arith.constant 0 : index
    %get3A_25 = arith.constant 0 : index
    %get3A_26 = vector.load %arg3[%get3A_24, %get3A_25] : memref<10000x128xf32, #tpu.memory_space<vmem>>, vector<10000x128xf32>
    %add3A_27 = arith.addf %max3A_23, %get3A_26 : vector<10000x128xf32>
    %get3A_28 = arith.constant 0 : index
    %get3A_29 = arith.constant 0 : index
    %get3A_30 = vector.load %arg5[%get3A_28, %get3A_29] : memref<128x32xf32, #tpu.memory_space<vmem>>, vector<128x32xf32>
    %dot_general3A = arith.constant dense<0.000000e+00> : vector<10000x32xf32>
    %dot_general3A_31 = tpu.matmul %add3A_27, %get3A_30, %dot_general3A {dimension_numbers = #tpu.dot_dimension_numbers<[1], [0], [0], [1], [0, 0, 1, 1], [], []>, transpose_lhs_hint = false} : vector<10000x128xf32>, vector<128x32xf32>, vector<10000x32xf32> -> vector<10000x32xf32>
    %get3A_32 = arith.constant 0 : index
    %get3A_33 = arith.constant 0 : index
    %get3A_34 = vector.load %arg6[%get3A_32, %get3A_33] : memref<1x32xf32, #tpu.memory_space<vmem>>, vector<1x32xf32>
    %add3A_35 = vector.broadcast %get3A_34 : vector<1x32xf32> to vector<10000x32xf32>
    %add3A_36 = arith.addf %dot_general3A_31, %add3A_35 : vector<10000x32xf32>
    %ge3A = arith.constant 0.000000e+00 : f32
    %ge3A_37 = vector.broadcast %ge3A : f32 to vector<10000x32xf32>
    %ge3A_38 = arith.cmpf oge, %add3A_36, %ge3A_37 : vector<10000x32xf32>
    %mul3A_39 = arith.constant 0.00999999977 : f32
    %mul3A_40 = vector.broadcast %mul3A_39 : f32 to vector<10000x32xf32>
    %mul3A_41 = arith.mulf %mul3A_40, %add3A_36 : vector<10000x32xf32>
    %select_n3A = arith.select %ge3A_38, %add3A_36, %mul3A_41 : vector<10000x32xi1>, vector<10000x32xf32>
    %get3A_42 = arith.constant 0 : index
    %get3A_43 = arith.constant 0 : index
    %get3A_44 = vector.load %arg7[%get3A_42, %get3A_43] : memref<32x32xf32, #tpu.memory_space<vmem>>, vector<32x32xf32>
    %dot_general3A_45 = arith.constant dense<0.000000e+00> : vector<10000x32xf32>
    %dot_general3A_46 = tpu.matmul %select_n3A, %get3A_44, %dot_general3A_45 {dimension_numbers = #tpu.dot_dimension_numbers<[1], [0], [0], [1], [0, 0, 1, 1], [], []>, transpose_lhs_hint = false} : vector<10000x32xf32>, vector<32x32xf32>, vector<10000x32xf32> -> vector<10000x32xf32>
    %get3A_47 = arith.constant 0 : index
    %get3A_48 = arith.constant 0 : index
    %get3A_49 = vector.load %arg8[%get3A_47, %get3A_48] : memref<1x32xf32, #tpu.memory_space<vmem>>, vector<1x32xf32>
    %add3A_50 = vector.broadcast %get3A_49 : vector<1x32xf32> to vector<10000x32xf32>
    %add3A_51 = arith.addf %dot_general3A_46, %add3A_50 : vector<10000x32xf32>
    %ge3A_52 = arith.constant 0.000000e+00 : f32
    %ge3A_53 = vector.broadcast %ge3A_52 : f32 to vector<10000x32xf32>
    %ge3A_54 = arith.cmpf oge, %add3A_51, %ge3A_53 : vector<10000x32xf32>
    %mul3A_55 = arith.constant 0.00999999977 : f32
    %mul3A_56 = vector.broadcast %mul3A_55 : f32 to vector<10000x32xf32>
    %mul3A_57 = arith.mulf %mul3A_56, %add3A_51 : vector<10000x32xf32>
    %select_n3A_58 = arith.select %ge3A_54, %add3A_51, %mul3A_57 : vector<10000x32xi1>, vector<10000x32xf32>
    %get3A_59 = arith.constant 0 : index
    %get3A_60 = arith.constant 0 : index
    %get3A_61 = vector.load %arg9[%get3A_59, %get3A_60] : memref<32x1xf32, #tpu.memory_space<vmem>>, vector<32x1xf32>
    %dot_general3A_62 = arith.constant dense<0.000000e+00> : vector<10000x1xf32>
    %dot_general3A_63 = tpu.matmul %select_n3A_58, %get3A_61, %dot_general3A_62 {dimension_numbers = #tpu.dot_dimension_numbers<[1], [0], [0], [1], [0, 0, 1, 1], [], []>, transpose_lhs_hint = false} : vector<10000x32xf32>, vector<32x1xf32>, vector<10000x1xf32> -> vector<10000x1xf32>
    %get3A_64 = arith.constant 0 : index
    %get3A_65 = arith.constant 0 : index
    %get3A_66 = vector.load %arg10[%get3A_64, %get3A_65] : memref<1x1xf32, #tpu.memory_space<vmem>>, vector<1x1xf32>
    %add3A_67 = vector.broadcast %get3A_66 : vector<1x1xf32> to vector<10000x1xf32>
    %add3A_68 = arith.addf %dot_general3A_63, %add3A_67 : vector<10000x1xf32>
    %custom_jvp_call3A = arith.constant 0.000000e+00 : f32
    %max3A_69 = vector.broadcast %custom_jvp_call3A : f32 to vector<10000x1xf32>
    %max3A_70 = arith.maximumf %add3A_68, %max3A_69 : vector<10000x1xf32>
    %sub3A = vector.broadcast %custom_jvp_call3A : f32 to vector<10000x1xf32>
    %sub3A_71 = arith.subf %add3A_68, %sub3A : vector<10000x1xf32>
    %ne3A = arith.cmpf one, %sub3A_71, %sub3A_71 : vector<10000x1xf32>
    %add3A_72 = vector.broadcast %custom_jvp_call3A : f32 to vector<10000x1xf32>
    %add3A_73 = arith.addf %add3A_68, %add3A_72 : vector<10000x1xf32>
    %abs3A = math.absf %sub3A_71 : vector<10000x1xf32>
    %neg3A = arith.constant 0.000000e+00 : f32
    %neg3A_74 = vector.broadcast %neg3A : f32 to vector<10000x1xf32>
    %neg3A_75 = arith.subf %neg3A_74, %abs3A : vector<10000x1xf32>
    %exp3A = math.exp %neg3A_75 : vector<10000x1xf32>
    %log1p3A = math.log1p %exp3A : vector<10000x1xf32>
    %add3A_76 = arith.addf %max3A_70, %log1p3A : vector<10000x1xf32>
    %select_n3A_77 = arith.select %ne3A, %add3A_73, %add3A_76 : vector<10000x1xi1>, vector<10000x1xf32>
    %reduce_sum3A = vector.shape_cast %select_n3A_77 : vector<10000x1xf32> to vector<1x10000x1xf32>
    %reduce_sum3A_78 = arith.constant dense<0.000000e+00> : vector<1xf32>
    %reduce_sum3A_79 = vector.multi_reduction <add>, %reduce_sum3A, %reduce_sum3A_78 [1, 2] : vector<1x10000x1xf32> to vector<1xf32>
    %reduce_sum3A_80 = vector.shape_cast %reduce_sum3A_79 : vector<1xf32> to vector<1x1x1xf32>
    %reduce_sum3A_81 = vector.extract %reduce_sum3A_80[0, 0, 0] : f32 from vector<1x1x1xf32>
    %add3A_82 = arith.constant 9.99999968E-21 : f32
    %add3A_83 = arith.addf %reduce_sum3A_81, %add3A_82 : f32
    %div3A = vector.broadcast %add3A_83 : f32 to vector<10000x1xf32>
    %div3A_84 = arith.divf %select_n3A_77, %div3A : vector<10000x1xf32>
    %swap3A = arith.constant 0 : index
    %swap3A_85 = arith.constant 0 : index
    %swap3A_86 = vector.load %arg11[%swap3A, %swap3A_85] : memref<10000x1xf32, #tpu.memory_space<vmem>>, vector<10000x1xf32>
    tpu.vector_store %arg11[%swap3A, %swap3A_85], %div3A_84 {strides = array<i32>} : memref<10000x1xf32, #tpu.memory_space<vmem>>, vector<10000x1xf32>,
    return
  }
}

</mosaic_0001>

<sc_bundles>
// kernel: kernel.6.cloned.1.call-start
scs
__scs_entry_jumppad:
0x0: {  	(pc) =	sbr.rel $0x88, $3  }
0x1: {  	(tag) =	ssettag $0x0;
	lr =	simm.s32 $0x1  }
0x2: {  	[smem:$0x3F97] =	sst lr;
	_ =	strace $0xD0000000  }
0x3: {  	_ = 	snop  }
0x4: {  	_ = 	snop  }
0x5: {  	_ = 	snop  }
0x6: {  	_ = 	snop  }
0x7: {  	_ = 	snop  }
__scs_overlays_trampoline_lowered:
0x8: {  	[smem:$0x3FA6] =	sst s0  }
0x9: {  	[smem:$0x3FA7] =	sst s1  }
0xa: {  	[smem:$0x3FA8] =	sst s2  }
0xb: {  	[smem:$0x3FA9] =	sst s3  }
0xc: {  	[smem:$0x3FAA] =	sst s4  }
0xd: {  	[smem:$0x3FAB] =	sst s5  }
0xe: {  	[smem:$0x3FAC] =	sst s6  }
0xf: {  	[smem:$0x3FAD] =	sst s7  }
0x10: {  	[smem:$0x3FAE] =	sst s8  }
0x11: {  	[smem:$0x3FAF] =	sst s9;
	s0 =	simm.s32 @!p0 $0x0  }
0x12: {  	s1 =	sld [smem:$0x3F95];
	s0 =	simm.s32 @p0 $0x1  }
0x13: {  	[smem:$0x3FB0] =	sst s0;
	s0 =	simm.s32 @!p1 $0x0  }
0x14: {  	s2 =	sld [smem:$0x3F94];
	s0 =	simm.s32 @p1 $0x1  }
0x15: {  	[smem:$0x3FB1] =	sst s0;
	s0 =	simm.s32 @!p2 $0x0  }
0x16: {  	s3 =	sld [smem:$0x3FDB];
	s0 =	simm.s32 @p2 $0x1  }
0x17: {  	s4 =	simm.s32 $0x1BF5;
	[smem:$0x3FB3] =	sst s0  }
0x18: {  	s0 =	sld [smem:$0x3F96];
	_ =	swait.ge [sflag:s4], $0x0  }
0x19: {  	s7 =	sld [smem:$0x3F97]  }
0x1a: {  	s8 =	sadd.s32 $0xFFFFE003, lr  }
0x1b: {  	s9 =	sadd.s32 $0xFFFFFEF7, lr;
	s5 =	simm.s32 $0xFFFFFFFF;
	p2 =	slt.u32 s8, $0xFFFFF086  }
0x1c: {  	p1 =	slt.u32 s9, $0xF7A;
	s5 =	simm.s32 @!p2 $0x0  }
0x1d: {  	s5 =	simm.s32 @p1 $0x1;
	p0 =	seq.s32 s7, s2  }
0x1e: {  	s7 =	smul.u32 @!p0 $0xF7A, s2;
	p2 =	seq.s32 @!p0 s5, $0x0  }
0x1f: {  	s9 =	smul.u32 $0xF7A, s1;
	s8 =	simm.s32 @!p0 $0x1BF5;
	p2 =	por !p2, p0  }
0x20: {  	[sflag:s8] =	ssyncset.s32 @!p0 $0xFFFFF086;
	s6 =	sadd.s32 @!p0 s3, s7;
	s7 =	simm.s32 @!p0 $0x108  }
0x21: {  	s3 =	sadd.s32 s3, s9;
	s6 =	sadd.s32 @!p0 $0x88, s6;
	s7 =	simm.s32 @p2 $0x1082  }
0x22: {  	[simem:s7], [sflag:s8] =	dma.local @!p0 [hbm:s6], $0xF7A  }
0x23: {  	s9 =	sor.u32 $0xD0000000, s2;
	s6 =	simm.s32 $0x108;
	_ =	swait.ge @!p0 [sflag:s8], $0x0  }
0x24: {  	s3 =	sadd.s32 $0x88, s3;
	s6 =	simm.s32 @!p1 $0x1082;
	[sflag:s4] =	ssyncset.s32 $0xFFFFF086  }
0x25: {  	[simem:s6], [sflag:s4] =	dma.local [hbm:s3], $0xF7A  }
0x26: {  	[smem:$0x3F97] =	sst s1;
	(tag) =	ssettag s2;
	_ =	strace s9  }
0x27: {  	s1 =	sld [smem:$0x3FA7]  }
0x28: {  	s2 =	sld [smem:$0x3FA8]  }
0x29: {  	s4 =	sld [smem:$0x3FAA]  }
0x2a: {  	p0 =	seq.s32 s5, $0x0;
	s5 =	sld [smem:$0x3FAB]  }
0x2b: {  	s6 =	sld [smem:$0x3FAC]  }
0x2c: {  	s7 =	sld [smem:$0x3FAD]  }
0x2d: {  	s3 =	simm.s32 $0x108;
	s8 =	sld [smem:$0x3FAE]  }
0x2e: {  	s3 =	simm.s32 @!p0 $0x1082;
	s9 =	sld [smem:$0x3FAF]  }
0x2f: {  	lr =	sadd.s32 s0, s3;
	s0 =	sld [smem:$0x3FA6]  }
0x30: {  	s3 =	sld [smem:$0x3FA9]  }
0x31: {  	[smem:$0x3FB2] =	sst s10  }
0x32: {  	s10 =	sld [smem:$0x3FB0];
	_ =	sdelay $0x3  }
0x33: {  	p0 =	seq.s32 s10, $0x1;
	s10 =	sld [smem:$0x3FB2];
	_ =	sdelay $0x3  }
0x34: {  	[smem:$0x3FB2] =	sst s10  }
0x35: {  	s10 =	sld [smem:$0x3FB1];
	_ =	sdelay $0x3  }
0x36: {  	p1 =	seq.s32 s10, $0x1;
	s10 =	sld [smem:$0x3FB2];
	_ =	sdelay $0x3  }
0x37: {  	[smem:$0x3FB2] =	sst s10  }
0x38: {  	s10 =	sld [smem:$0x3FB3]  }
0x39: {  	_ = 	snop;
	(pc) =	sbr.ind lr, $3  }
0x3a: {  	_ = 	snop  }
0x3b: {  	_ = 	snop  }
0x3c: {  	p2 =	seq.s32 s10, $0x1;
	s10 =	sld [smem:$0x3FB2]  }
0x3d: {  	_ =	shalt  }
0x3e: {  	_ =	shalt  }
0x3f: {  	_ =	shalt  }
0x40: {  	_ =	shalt  }
0x41: {  	_ =	shalt  }
0x42: {  	_ =	shalt  }
0x43: {  	_ =	shalt  }
0x44: {  	_ =	shalt  }
0x45: {  	_ =	shalt  }
0x46: {  	_ =	shalt  }
0x47: {  	_ =	shalt  }
0x48: {  	_ =	shalt  }
0x49: {  	_ =	shalt  }
0x4a: {  	_ =	shalt  }
0x4b: {  	_ =	shalt  }
0x4c: {  	_ =	shalt  }
0x4d: {  	_ =	shalt  }
0x4e: {  	_ =	shalt  }
0x4f: {  	_ =	shalt  }
0x50: {  	_ =	shalt  }
0x51: {  	_ =	shalt  }
0x52: {  	_ =	shalt  }
0x53: {  	_ =	shalt  }
0x54: {  	_ =	shalt  }
0x55: {  	_ =	shalt  }
0x56: {  	_ =	shalt  }
0x57: {  	_ =	shalt  }
0x58: {  	_ =	shalt  }
0x59: {  	_ =	shalt  }
0x5a: {  	_ =	shalt  }
0x5b: {  	_ =	shalt  }
0x5c: {  	_ =	shalt  }
0x5d: {  	_ =	shalt  }
0x5e: {  	_ =	shalt  }
0x5f: {  	_ =	shalt  }
0x60: {  	_ =	shalt  }
0x61: {  	_ =	shalt  }
0x62: {  	_ =	shalt  }
0x63: {  	_ =	shalt  }
0x64: {  	_ =	shalt  }
0x65: {  	_ =	shalt  }
0x66: {  	_ =	shalt  }
0x67: {  	_ =	shalt  }
0x68: {  	_ =	shalt  }
0x69: {  	_ =	shalt  }
0x6a: {  	_ =	shalt  }
0x6b: {  	_ =	shalt  }
0x6c: {  	_ =	shalt  }
0x6d: {  	_ =	shalt  }
0x6e: {  	_ =	shalt  }
0x6f: {  	_ =	shalt  }
0x70: {  	_ =	shalt  }
0x71: {  	_ =	shalt  }
0x72: {  	_ =	shalt  }
0x73: {  	_ =	shalt  }
0x74: {  	_ =	shalt  }
0x75: {  	_ =	shalt  }
0x76: {  	_ =	shalt  }
0x77: {  	_ =	shalt  }
0x78: {  	_ =	shalt  }
0x79: {  	_ =	shalt  }
0x7a: {  	_ =	shalt  }
0x7b: {  	_ =	shalt  }
0x7c: {  	_ =	shalt  }
0x7d: {  	_ =	shalt  }
0x7e: {  	_ =	shalt  }
0x7f: {  	_ =	shalt  }
0x80: {  	_ =	shalt  }
0x81: {  	_ =	shalt  }
0x82: {  	_ =	shalt  }
0x83: {  	_ =	shalt  }
0x84: {  	_ =	shalt  }
0x85: {  	_ =	shalt  }
0x86: {  	_ =	shalt  }
0x87: {  	_ =	shalt  }
.Lfunc_end0:
.L_simem_size_0:
called_computation_lowered:
.L_overlay_start_0:
0x88: {  	s2 =	sld [smem:$0x3FD9]  }
0x89: {  	s3 =	sld [smem:$0x3FFE];
	_ =	sdelay $0x1  }
0x8a: {  	s1 =	srdreg.scid  }
0x8b: {  	s0 =	sand.u32 $0x1, s1  }
0x8c: {  	s16 =	sshll.u32 s0, $0xA;
	s2 =	sadd.s32 s3, s2  }
0x8d: {  	s2 =	sadd.s32 s2, s16  }
0x8e: {  	[smem:$0x3FBE] =	sst s2  }
0x8f: {  	_ = 	snop  }
0x90: {  	(tm) =	ssettm $0x1  }
0x91: {  	s17 =	sld [smem:$0x3FFB];
	_ =	sdelay $0x3  }
0x92: {  	_ =	strace s17  }
0x93: {  	s2 =	sld [smem:$0x3FFC];
	_ =	sdelay $0x3  }
0x94: {  	_ =	strace s2  }
0x95: {  	s2 =	sld [smem:$0x3FFD];
	_ =	sdelay $0x3  }
0x96: {  	_ =	strace s2  }
0x97: {  	_ =	strace $0x8FFFFFFF  }
0x98: {  	s18 =	sld [smem:$0x3FDB];
	_ =	sdelay $0x1  }
0x99: {  	s19 =	simm.s32 $_scs_section_size  }
0x9a: {  	s4 =	simm.s32 $_size__tile_overlayer_lowered;
	s5 =	simm.s32 $_tile_overlayer_lowered  }
0x9b: {  	s22 =	simm.s32 $0x1BFF;
	s21 =	sshll.u32 s5, $0x1;
	s2 =	sadd.s32 s19, s18  }
0x9c: {  	s6 =	simm.s32 $0x0;
	s20 =	sshll.u32 s4, $0x1;
	s4 =	sadd.s32 s21, s2  }
0x9d: {  	[timem:s6], [sflag:s22] =	dma.local [hbm:s4], s20  }
0x9e: {  	_ =	swait.ge [sflag:s22], s20  }
0x9f: {  	s3 =	ssub.s32 $0x0, s20;
	[sflag:s22] =	ssyncset.done $0x0  }
0xa0: {  	[sflag:s22] =	ssyncadd.s32 s3;
	_ =	sdelay $0x1  }
0xa1: {  	s23 =	simm.s32 $0x1B8B  }
0xa2: {  	_ =	swait.ge [sflag:s23], $0x1  }
0xa3: {  	[sflag:s23] =	ssyncset.done $0x0  }
0xa4: {  	s25 =	simm.s32 $0x1B8E;
	s24 =	sld [smem:$0x3FFE];
	[sflag:s23] =	ssyncadd.s32 $0xFFFFFFFF  }
0xa5: {  	s26 =	simm.s32 $execute0_lowered;
	[smem:$0x3FD2] =	sst s25  }
0xa6: {  	s4 =	sshll.u32 s26, $0x1;
	_ =	strace $0x80000046;
	[dreg:$0x1] =	wrdreg $0xFFFFFFFF  }
0xa7: {  	s28 =	simm.s32 $_size_execute0_lowered;
	s2 =	sadd.s32 s2, s4;
	[dreg:$0x0] =	wrdreg $0x0  }
0xa8: {  	s4 =	sshll.u32 s28, $0x1;
	[dreg:$0x2] =	wrdreg s2  }
0xa9: {  	[dreg:$0x3] =	wrdreg s4  }
0xaa: {  	[dreg:$0x4] =	wrdreg $0xC0  }
0xab: {  	_ =	task [dreg:s6], $0x5FFFF  }
0xac: {  	[dreg:$0x1] =	wrdreg $0xFFFFFFFF  }
0xad: {  	[dreg:$0x0] =	wrdreg $0x60  }
0xae: {  	[dreg:$0x2] =	wrdreg s24  }
0xaf: {  	[dreg:$0x3] =	wrdreg $0x68000  }
0xb0: {  	[dreg:$0x4] =	wrdreg $0x9  }
0xb1: {  	_ =	task.clear_ibuf [dreg:s6], $0x5FFFF;
	_ =	strace $0x90000046  }
0xb2: {  	s29 =	simm.s32 $0x9;
	_ =	strace $0x80000048  }
0xb3: {  	_ =	swait.ge [sflag:s29], $0x1  }
0xb4: {  	[sflag:s29] =	ssyncadd.s32 $0xFFFFFFFF  }
0xb5: {  	_ =	strace $0x90000048  }
0xb6: {  	_ =	sfence  }
0xb7: {  	s30 =	sld [smem:$0x0];
	_ =	sdelay $0x2  }
0xb8: {  	s31 =	sshll.u32 s1, $0xD;
	s1 =	sshrl.u32 s1, $0x2  }
0xb9: {  	s3 =	sand.u32 $0x4000, s31;
	s1 =	sadd.s32 s1, s30  }
0xba: {  	s0 =	sor.u32 s3, s0;
	s1 =	sshll.u32 s1, $0x11  }
0xbb: {  	s0 =	sor.u32 s1, s0  }
0xbc: {  	s0 =	sadd.s32 $0x8F2B, s0  }
0xbd: {  	[sflag:s0] =	ssyncadd.remote.s32 $0x1  }
0xbe: {  	_ =	sfence.sel $0xFFFF  }
0xbf: {  	[dreg:$0x0] =	wrdreg $0xFFFFFFFF;
	(pc) =	sbr.abs _section_cstart, $3  }
0xc0: {  	[dreg:$0x1] =	wrdreg $0xFFFFFFFF  }
0xc1: {  	_ =	task.clear_ibuf [dreg:s6], $0x2FFFF;
	_ =	strace $0x9FFFFFFF  }
0xc2: {  	(tm) =	ssettm $0x7FFFFFFF  }
0xc3: {  	_ =	shalt  }
tec
execute0_lowered:
.L_overlay_start_1:
0x0: {  	(tag) =	ssettag $0x1  }
0x1: {  	s6 =	rddreg [dreg:$0x0]  }
0x2: {  	s0 =	srdreg.scid;
	s2 =	rddreg [dreg:$0x1]  }
0x3: {  	s1 =	rddreg [dreg:$0x2];
	s7 =	sand.u32 $0x1, s0  }
0x4: {  	s0 =	stileid.u32;
	s4 =	smul.u32 $0x28000, s7  }
0x5: {  	s3 =	simm.s32 $0x0;
	s13 =	simm.s32 $0x7D;
	s5 =	smul.u32 $0x2800, s0  }
0x6: {  	s14 =	simm.s32 $0x0;
	[smem:$0x7FF] =	sst s3;
	s29 =	smul.u32 $0x13C000, s7  }
0x7: {  	s8 =	smul.u32 $0x13C00, s0;
	_ =	strace $0x80000047;
	s7 =	ssub.s32 $0x2, s7  }
0x8: {  	s10 =	smul.u32 $0x4E200, s0;
	s31 =	sshll.u32 s0, $0x6;
	s30 =	sshrl.u32 s7, $0x1  }
0x9: {  	s4 =	sadd.s32 s5, s4;
	s8 =	sadd.s32 s8, s29;
	s5 =	sadd.s32 $0xC200, s6  }
0xa: {  	s10 =	sshrl.u32 s10, $0x2;
	s11 =	ssub.s32 s7, s30;
	s4 =	sshrl.u32 s4, $0x3  }
0xb: {  	s8 =	sshrl.u32 s8, $0x3;
	s12 =	sadd.s32 s10, s2;
	s10 =	simm.s32 $0x2800  }
0xc: {  	s9 =	sadd.s32 s4, s6;
	s4 =	sadd.s32 $0xEA00, s6;
	s8 =	sadd.s32 s8, s6  }
0xd: {  	s12 =	sshrl.u32 s12, $0x3;
	s6 =	sadd.s32 $0x2200, s9;
	s7 =	sadd.s32 $0xF200, s8  }
0xe: {  	s8 =	smax.u32 s11, $0x1;
	s9 =	simm.s32 $0x1;
	s11 =	sor.u32 $0x1C01, s31  }
.LBB2_1:
0xf: {  	[tilespmem:s3], [sflag:$0x1] =	stream.linear.gather [hbm4b:s6+s3], $0x2800, $0x38;
	[tilespmem:$0x1A080] =	vst v63  }
0x10: {  	_ =	swait.ge [sflag:s9], $0x2800  }
0x11: {  	[sflag:s9] =	ssyncset.done $0x0  }
0x12: {  	[sflag:s9] =	ssyncadd.s32 $0xFFFFD800  }
0x13: {  	[tilespmem:s10], [sflag:$0x1] =	stream.linear.gather [hbm4b:s4+s3], $0x3E80, $0x38;
	[tilespmem:$0x1A080] =	vst v63  }
0x14: {  	_ =	swait.ge [sflag:s9], $0x3E80  }
0x15: {  	[sflag:s9] =	ssyncset.done $0x0  }
0x16: {  	[sflag:s9] =	ssyncadd.s32 $0xFFFFC180  }
0x17: {  	[spmem:s12], [sflag:s11] =	dma.local [hbm:s5], $0x2710  }
0x18: {  	_ =	swait.ge [sflag:s9], $0x2710  }
0x19: {  	[sflag:s9] =	ssyncset.done $0x0  }
0x1a: {  	[sflag:s9] =	ssyncadd.s32 $0xFFFFD8F0  }
0x1b: {  	s15 =	simm.s32 $0x0;
	[bflag:$0x0] =	sbarrier.arrive $0xFFFF  }
0x1c: {  	[spmem:s2] =	stream.indirect.scatter.add.f32 [tilespmem:s10], [sflag:$0x1], $0x80, s15, s13, $0xb8;
	[tilespmem:$0x1A080] =	vst v63  }
0x1d: {  	_ =	swait.ge [sflag:s9], $0x3E80  }
0x1e: {  	s15 =	simm.s32 $0x200;
	[sflag:s9] =	ssyncset.done $0x0  }
.LBB2_2:
0x1f: {  	s16 =	sshra.s32 s15, $0x2;
	[sflag:s9] =	ssyncadd.s32 $0xFFFFC180;
	p0 =	sne.s32 s15, $0x9E00  }
0x20: {  	[spmem:s2] =	stream.indirect.scatter.add.f32 [tilespmem:s10], [sflag:$0x1], $0x80, s16, s13, $0xb8;
	[tilespmem:$0x1A080] =	vst v63  }
.Ltmp0:
0x21: {  	_ = 	snop;
	(pc) =	sbr.rel @p0 .LBB2_2-.Ltmp0, $4  }
0x22: {  	_ = 	snop  }
0x23: {  	s15 =	sadd.s32 $0x200, s15  }
0x24: {  	_ =	swait.ge [sflag:s9], $0x3E80  }
0x25: {  	[sflag:s9] =	ssyncset.done $0x0  }
0x26: {  	s14 =	sadd.s32 $0x1, s14  }
0x27: {  	[sflag:s9] =	ssyncadd.s32 $0xFFFFC180;
	p0 =	sne.s32 s14, s8  }
.Ltmp1:
0x28: {  	[bflag:$0x0] =	sbarrier.arrive $0xFFFF;
	(pc) =	sbr.rel @p0 .LBB2_1-.Ltmp1, $4  }
0x29: {  	[hbm:s7], [sflag:s11] =	dma.local [spmem:s12], $0x2710  }
0x2a: {  	_ =	swait.ge [sflag:s9], $0x2710  }
0x2b: {  	[sflag:s9] =	ssyncset.done $0x0  }
0x2c: {  	[sflag:s9] =	ssyncadd.s32 $0xFFFFD8F0  }
0x2d: {  	_ =	sfence.sel $0x180000  }
0x2e: {  	[bflag:$0x0] =	sbarrier.arrive $0xFFFF  }
0x2f: {  	p0 =	sne.s32 s0, $0x0;
	_ =	strace $0x90000047  }
0x30: {  	s0 =	sadd.s32 @!p0 $0x100000, s1;
	[bflag:$0x2] =	sbarrier.arrive $0xFFFF  }
0x31: {  	[sflag:s0] =	ssyncadd.tile.s32 @!p0 $0x1;
	_ =	shalt  }
.Lfunc_end2:
_tile_overlayer_lowered:
.L_overlay_start_2:
0x32: {  	(tag) =	ssettag $0x2  }
0x33: {  	s0 =	rddreg [dreg:$0x0];
	s2 =	stileid.u32  }
0x34: {  	s1 =	rddreg [dreg:$0x1];
	p0 =	sne.s32 s2, $0x0  }
0x35: {  	s3 =	rddreg [dreg:$0x2];
	[bflag:$0x3] =	sbarrier.arrive $0xFFFF;
	s2 =	simm.s32 @!p0 $0x1C01  }
0x36: {  	[timem:s3], [sflag:s2] =	dma.local @!p0 [hbm:s0], s1  }
0x37: {  	s0 =	simm.s32 @!p0 $0x1  }
0x38: {  	_ =	swait.ge @!p0 [sflag:s0], s1  }
0x39: {  	s1 =	ssub.s32 @!p0 $0x0, s1;
	[sflag:s0] =	ssyncset.done @!p0 $0x0  }
0x3a: {  	[sflag:s0] =	ssyncadd.s32 @!p0 s1  }
0x3b: {  	[bflag:$0x3] =	sbarrier.arrive $0xFFFF  }
0x3c: {  	_ =	shalt  }

// kernel: kernel.9.cloned.1.call-start
scs
__scs_entry_jumppad:
0x0: {  	(pc) =	sbr.rel $0x88, $3  }
0x1: {  	(tag) =	ssettag $0x0;
	lr =	simm.s32 $0x1  }
0x2: {  	[smem:$0x3F97] =	sst lr;
	_ =	strace $0xD0000000  }
0x3: {  	_ = 	snop  }
0x4: {  	_ = 	snop  }
0x5: {  	_ = 	snop  }
0x6: {  	_ = 	snop  }
0x7: {  	_ = 	snop  }
__scs_overlays_trampoline_lowered:
0x8: {  	[smem:$0x3FA6] =	sst s0  }
0x9: {  	[smem:$0x3FA7] =	sst s1  }
0xa: {  	[smem:$0x3FA8] =	sst s2  }
0xb: {  	[smem:$0x3FA9] =	sst s3  }
0xc: {  	[smem:$0x3FAA] =	sst s4  }
0xd: {  	[smem:$0x3FAB] =	sst s5  }
0xe: {  	[smem:$0x3FAC] =	sst s6  }
0xf: {  	[smem:$0x3FAD] =	sst s7  }
0x10: {  	[smem:$0x3FAE] =	sst s8  }
0x11: {  	[smem:$0x3FAF] =	sst s9;
	s0 =	simm.s32 @!p0 $0x0  }
0x12: {  	s1 =	sld [smem:$0x3F95];
	s0 =	simm.s32 @p0 $0x1  }
0x13: {  	[smem:$0x3FB0] =	sst s0;
	s0 =	simm.s32 @!p1 $0x0  }
0x14: {  	s2 =	sld [smem:$0x3F94];
	s0 =	simm.s32 @p1 $0x1  }
0x15: {  	[smem:$0x3FB1] =	sst s0;
	s0 =	simm.s32 @!p2 $0x0  }
0x16: {  	s3 =	sld [smem:$0x3FDB];
	s0 =	simm.s32 @p2 $0x1  }
0x17: {  	s4 =	simm.s32 $0x1BF5;
	[smem:$0x3FB3] =	sst s0  }
0x18: {  	s0 =	sld [smem:$0x3F96];
	_ =	swait.ge [sflag:s4], $0x0  }
0x19: {  	s7 =	sld [smem:$0x3F97]  }
0x1a: {  	s8 =	sadd.s32 $0xFFFFE003, lr  }
0x1b: {  	s9 =	sadd.s32 $0xFFFFFEF7, lr;
	s5 =	simm.s32 $0xFFFFFFFF;
	p2 =	slt.u32 s8, $0xFFFFF086  }
0x1c: {  	p1 =	slt.u32 s9, $0xF7A;
	s5 =	simm.s32 @!p2 $0x0  }
0x1d: {  	s5 =	simm.s32 @p1 $0x1;
	p0 =	seq.s32 s7, s2  }
0x1e: {  	s7 =	smul.u32 @!p0 $0xF7A, s2;
	p2 =	seq.s32 @!p0 s5, $0x0  }
0x1f: {  	s9 =	smul.u32 $0xF7A, s1;
	s8 =	simm.s32 @!p0 $0x1BF5;
	p2 =	por !p2, p0  }
0x20: {  	[sflag:s8] =	ssyncset.s32 @!p0 $0xFFFFF086;
	s6 =	sadd.s32 @!p0 s3, s7;
	s7 =	simm.s32 @!p0 $0x108  }
0x21: {  	s3 =	sadd.s32 s3, s9;
	s6 =	sadd.s32 @!p0 $0x88, s6;
	s7 =	simm.s32 @p2 $0x1082  }
0x22: {  	[simem:s7], [sflag:s8] =	dma.local @!p0 [hbm:s6], $0xF7A  }
0x23: {  	s9 =	sor.u32 $0xD0000000, s2;
	s6 =	simm.s32 $0x108;
	_ =	swait.ge @!p0 [sflag:s8], $0x0  }
0x24: {  	s3 =	sadd.s32 $0x88, s3;
	s6 =	simm.s32 @!p1 $0x1082;
	[sflag:s4] =	ssyncset.s32 $0xFFFFF086  }
0x25: {  	[simem:s6], [sflag:s4] =	dma.local [hbm:s3], $0xF7A  }
0x26: {  	[smem:$0x3F97] =	sst s1;
	(tag) =	ssettag s2;
	_ =	strace s9  }
0x27: {  	s1 =	sld [smem:$0x3FA7]  }
0x28: {  	s2 =	sld [smem:$0x3FA8]  }
0x29: {  	s4 =	sld [smem:$0x3FAA]  }
0x2a: {  	p0 =	seq.s32 s5, $0x0;
	s5 =	sld [smem:$0x3FAB]  }
0x2b: {  	s6 =	sld [smem:$0x3FAC]  }
0x2c: {  	s7 =	sld [smem:$0x3FAD]  }
0x2d: {  	s3 =	simm.s32 $0x108;
	s8 =	sld [smem:$0x3FAE]  }
0x2e: {  	s3 =	simm.s32 @!p0 $0x1082;
	s9 =	sld [smem:$0x3FAF]  }
0x2f: {  	lr =	sadd.s32 s0, s3;
	s0 =	sld [smem:$0x3FA6]  }
0x30: {  	s3 =	sld [smem:$0x3FA9]  }
0x31: {  	[smem:$0x3FB2] =	sst s10  }
0x32: {  	s10 =	sld [smem:$0x3FB0];
	_ =	sdelay $0x3  }
0x33: {  	p0 =	seq.s32 s10, $0x1;
	s10 =	sld [smem:$0x3FB2];
	_ =	sdelay $0x3  }
0x34: {  	[smem:$0x3FB2] =	sst s10  }
0x35: {  	s10 =	sld [smem:$0x3FB1];
	_ =	sdelay $0x3  }
0x36: {  	p1 =	seq.s32 s10, $0x1;
	s10 =	sld [smem:$0x3FB2];
	_ =	sdelay $0x3  }
0x37: {  	[smem:$0x3FB2] =	sst s10  }
0x38: {  	s10 =	sld [smem:$0x3FB3]  }
0x39: {  	_ = 	snop;
	(pc) =	sbr.ind lr, $3  }
0x3a: {  	_ = 	snop  }
0x3b: {  	_ = 	snop  }
0x3c: {  	p2 =	seq.s32 s10, $0x1;
	s10 =	sld [smem:$0x3FB2]  }
0x3d: {  	_ =	shalt  }
0x3e: {  	_ =	shalt  }
0x3f: {  	_ =	shalt  }
0x40: {  	_ =	shalt  }
0x41: {  	_ =	shalt  }
0x42: {  	_ =	shalt  }
0x43: {  	_ =	shalt  }
0x44: {  	_ =	shalt  }
0x45: {  	_ =	shalt  }
0x46: {  	_ =	shalt  }
0x47: {  	_ =	shalt  }
0x48: {  	_ =	shalt  }
0x49: {  	_ =	shalt  }
0x4a: {  	_ =	shalt  }
0x4b: {  	_ =	shalt  }
0x4c: {  	_ =	shalt  }
0x4d: {  	_ =	shalt  }
0x4e: {  	_ =	shalt  }
0x4f: {  	_ =	shalt  }
0x50: {  	_ =	shalt  }
0x51: {  	_ =	shalt  }
0x52: {  	_ =	shalt  }
0x53: {  	_ =	shalt  }
0x54: {  	_ =	shalt  }
0x55: {  	_ =	shalt  }
0x56: {  	_ =	shalt  }
0x57: {  	_ =	shalt  }
0x58: {  	_ =	shalt  }
0x59: {  	_ =	shalt  }
0x5a: {  	_ =	shalt  }
0x5b: {  	_ =	shalt  }
0x5c: {  	_ =	shalt  }
0x5d: {  	_ =	shalt  }
0x5e: {  	_ =	shalt  }
0x5f: {  	_ =	shalt  }
0x60: {  	_ =	shalt  }
0x61: {  	_ =	shalt  }
0x62: {  	_ =	shalt  }
0x63: {  	_ =	shalt  }
0x64: {  	_ =	shalt  }
0x65: {  	_ =	shalt  }
0x66: {  	_ =	shalt  }
0x67: {  	_ =	shalt  }
0x68: {  	_ =	shalt  }
0x69: {  	_ =	shalt  }
0x6a: {  	_ =	shalt  }
0x6b: {  	_ =	shalt  }
0x6c: {  	_ =	shalt  }
0x6d: {  	_ =	shalt  }
0x6e: {  	_ =	shalt  }
0x6f: {  	_ =	shalt  }
0x70: {  	_ =	shalt  }
0x71: {  	_ =	shalt  }
0x72: {  	_ =	shalt  }
0x73: {  	_ =	shalt  }
0x74: {  	_ =	shalt  }
0x75: {  	_ =	shalt  }
0x76: {  	_ =	shalt  }
0x77: {  	_ =	shalt  }
0x78: {  	_ =	shalt  }
0x79: {  	_ =	shalt  }
0x7a: {  	_ =	shalt  }
0x7b: {  	_ =	shalt  }
0x7c: {  	_ =	shalt  }
0x7d: {  	_ =	shalt  }
0x7e: {  	_ =	shalt  }
0x7f: {  	_ =	shalt  }
0x80: {  	_ =	shalt  }
0x81: {  	_ =	shalt  }
0x82: {  	_ =	shalt  }
0x83: {  	_ =	shalt  }
0x84: {  	_ =	shalt  }
0x85: {  	_ =	shalt  }
0x86: {  	_ =	shalt  }
0x87: {  	_ =	shalt  }
.Lfunc_end0:
.L_simem_size_0:
called_computation.1_lowered:
.L_overlay_start_0:
0x88: {  	s2 =	sld [smem:$0x3FD9]  }
0x89: {  	s3 =	sld [smem:$0x3FFE];
	_ =	sdelay $0x1  }
0x8a: {  	s1 =	srdreg.scid  }
0x8b: {  	s0 =	sand.u32 $0x1, s1  }
0x8c: {  	s16 =	sshll.u32 s0, $0xA;
	s2 =	sadd.s32 s3, s2  }
0x8d: {  	s2 =	sadd.s32 s2, s16  }
0x8e: {  	[smem:$0x3FBE] =	sst s2  }
0x8f: {  	_ = 	snop  }
0x90: {  	(tm) =	ssettm $0x1  }
0x91: {  	s17 =	sld [smem:$0x3FFB];
	_ =	sdelay $0x3  }
0x92: {  	_ =	strace s17  }
0x93: {  	s2 =	sld [smem:$0x3FFC];
	_ =	sdelay $0x3  }
0x94: {  	_ =	strace s2  }
0x95: {  	s2 =	sld [smem:$0x3FFD];
	_ =	sdelay $0x3  }
0x96: {  	_ =	strace s2  }
0x97: {  	_ =	strace $0x8FFFFFFF  }
0x98: {  	s18 =	sld [smem:$0x3FDB];
	_ =	sdelay $0x1  }
0x99: {  	s19 =	simm.s32 $_scs_section_size  }
0x9a: {  	s4 =	simm.s32 $_size__tile_overlayer_lowered;
	s5 =	simm.s32 $_tile_overlayer_lowered  }
0x9b: {  	s22 =	simm.s32 $0x1BFF;
	s21 =	sshll.u32 s5, $0x1;
	s2 =	sadd.s32 s19, s18  }
0x9c: {  	s6 =	simm.s32 $0x0;
	s20 =	sshll.u32 s4, $0x1;
	s4 =	sadd.s32 s21, s2  }
0x9d: {  	[timem:s6], [sflag:s22] =	dma.local [hbm:s4], s20  }
0x9e: {  	_ =	swait.ge [sflag:s22], s20  }
0x9f: {  	s3 =	ssub.s32 $0x0, s20;
	[sflag:s22] =	ssyncset.done $0x0  }
0xa0: {  	[sflag:s22] =	ssyncadd.s32 s3;
	_ =	sdelay $0x1  }
0xa1: {  	s23 =	simm.s32 $0x1B8B  }
0xa2: {  	_ =	swait.ge [sflag:s23], $0x1  }
0xa3: {  	[sflag:s23] =	ssyncset.done $0x0  }
0xa4: {  	s25 =	simm.s32 $0x1B8E;
	s24 =	sld [smem:$0x3FFE];
	[sflag:s23] =	ssyncadd.s32 $0xFFFFFFFF  }
0xa5: {  	s26 =	simm.s32 $execute0_lowered;
	[smem:$0x3FD2] =	sst s25  }
0xa6: {  	s4 =	sshll.u32 s26, $0x1;
	_ =	strace $0x80000049;
	[dreg:$0x1] =	wrdreg $0xFFFFFFFF  }
0xa7: {  	s28 =	simm.s32 $_size_execute0_lowered;
	s2 =	sadd.s32 s2, s4;
	[dreg:$0x0] =	wrdreg $0x0  }
0xa8: {  	s4 =	sshll.u32 s28, $0x1;
	[dreg:$0x2] =	wrdreg s2  }
0xa9: {  	[dreg:$0x3] =	wrdreg s4  }
0xaa: {  	[dreg:$0x4] =	wrdreg $0xC0  }
0xab: {  	_ =	task [dreg:s6], $0x5FFFF  }
0xac: {  	[dreg:$0x1] =	wrdreg $0xFFFFFFFF  }
0xad: {  	[dreg:$0x0] =	wrdreg $0x60  }
0xae: {  	[dreg:$0x2] =	wrdreg s24  }
0xaf: {  	[dreg:$0x3] =	wrdreg $0x84000  }
0xb0: {  	[dreg:$0x4] =	wrdreg $0x9  }
0xb1: {  	_ =	task.clear_ibuf [dreg:s6], $0x5FFFF;
	_ =	strace $0x90000049  }
0xb2: {  	s29 =	simm.s32 $0x9;
	_ =	strace $0x8000004B  }
0xb3: {  	_ =	swait.ge [sflag:s29], $0x1  }
0xb4: {  	[sflag:s29] =	ssyncadd.s32 $0xFFFFFFFF  }
0xb5: {  	_ =	strace $0x9000004B  }
0xb6: {  	_ =	sfence  }
0xb7: {  	s30 =	sld [smem:$0x0];
	_ =	sdelay $0x2  }
0xb8: {  	s31 =	sshll.u32 s1, $0xD;
	s1 =	sshrl.u32 s1, $0x2  }
0xb9: {  	s3 =	sand.u32 $0x4000, s31;
	s1 =	sadd.s32 s1, s30  }
0xba: {  	s0 =	sor.u32 s3, s0;
	s1 =	sshll.u32 s1, $0x11  }
0xbb: {  	s0 =	sor.u32 s1, s0  }
0xbc: {  	s0 =	sadd.s32 $0x8F2B, s0  }
0xbd: {  	[sflag:s0] =	ssyncadd.remote.s32 $0x1  }
0xbe: {  	_ =	sfence.sel $0xFFFF  }
0xbf: {  	[dreg:$0x0] =	wrdreg $0xFFFFFFFF;
	(pc) =	sbr.abs _section_cstart, $3  }
0xc0: {  	[dreg:$0x1] =	wrdreg $0xFFFFFFFF  }
0xc1: {  	_ =	task.clear_ibuf [dreg:s6], $0x2FFFF;
	_ =	strace $0x9FFFFFFF  }
0xc2: {  	(tm) =	ssettm $0x7FFFFFFF  }
0xc3: {  	_ =	shalt  }
tec
execute0_lowered:
.L_overlay_start_1:
0x0: {  	(tag) =	ssettag $0x1  }
0x1: {  	s0 =	rddreg [dreg:$0x0]  }
0x2: {  	s1 =	rddreg [dreg:$0x1];
	s3 =	simm.s32 $0x0;
	s2 =	srdreg.scid  }
0x3: {  	s11 =	stileid.u32;
	s28 =	simm.s32 $0x5;
	s29 =	simm.s32 $0x80  }
0x4: {  	s30 =	simm.s32 $0x3;
	s31 =	simm.s32 $0x6;
	s6 =	smul.u32 $0x13C00, s11  }
0x5: {  	[smem:$0x7FF] =	sst s3;
	s2 =	sand.u32 $0x1, s2;
	s14 =	smul.u32 $0x5000, s11  }
0x6: {  	s8 =	sadd.s32 $0x5E200, s0;
	s4 =	sadd.s32 $0xEA00, s0;
	s10 =	smul.u32 $0x4E200, s11  }
0x7: {  	s7 =	sadd.s32 $0xC200, s0;
	s17 =	sshll.u32 s11, $0x6;
	s5 =	smul.u32 $0x13C000, s2  }
0x8: {  	_ =	strace $0x8000004A;
	s13 =	smul.u32 $0x50000, s2;
	s2 =	ssub.s32 $0x2, s2  }
0x9: {  	[dreg:$0x3] =	wrdreg s7;
	s9 =	sshrl.u32 s2, $0x1;
	s16 =	sshrl.u32 s10, $0x2  }
0xa: {  	s5 =	sadd.s32 s6, s5;
	s2 =	ssub.s32 s2, s9;
	s15 =	sadd.s32 s14, s13  }
0xb: {  	s10 =	sadd.s32 s16, s1;
	s6 =	sor.u32 $0x1C07, s17;
	s5 =	sshrl.u32 s5, $0x3  }
0xc: {  	s18 =	sshrl.u32 s15, $0x3;
	s21 =	sor.u32 $0x700, s15;
	s2 =	smax.u32 s2, $0x1  }
0xd: {  	s23 =	sor.u32 $0x600, s15;
	s24 =	sor.u32 $0x500, s15;
	s17 =	sshrl.u32 s10, $0x3  }
0xe: {  	s0 =	sadd.s32 s5, s0;
	s19 =	sadd.s32 s8, s18;
	s22 =	sshrl.u32 s21, $0x3  }
0xf: {  	[dreg:$0x9] =	wrdreg s2;
	s5 =	sor.u32 $0x400, s15;
	s25 =	sshrl.u32 s24, $0x3  }
0x10: {  	s18 =	simm.s32 $0x7;
	s21 =	simm.s32 $0x300;
	s24 =	simm.s32 $0x400  }
0x11: {  	s2 =	simm.s32 $0x4;
	s9 =	sadd.s32 $0x20, s19;
	s20 =	sadd.s32 $0x40, s19  }
0x12: {  	[dreg:$0x4] =	wrdreg s19;
	s7 =	sadd.s32 $0x60, s19;
	s0 =	sadd.s32 $0x72200, s0  }
0x13: {  	s13 =	sadd.s32 s22, s8;
	s26 =	sshrl.u32 s5, $0x3;
	[dreg:$0x5] =	wrdreg s9  }
0x14: {  	s15 =	sadd.s32 s25, s8;
	s19 =	simm.s32 $0x100;
	[dreg:$0x6] =	wrdreg s20  }
.Ltmp0:
0x15: {  	s22 =	simm.s32 $0x1;
	[dreg:$0x7] =	wrdreg s7;
	(pc) =	sbr.rel .LBB2_1-.Ltmp0, $4  }
0x16: {  	s25 =	simm.s32 $0x2;
	s5 =	simm.s32 $0x280;
	[dreg:$0x8] =	wrdreg s0  }
0x17: {  	s0 =	sshrl.u32 s23, $0x3;
	s16 =	sadd.s32 s26, s8;
	s20 =	simm.s32 $0x200  }
0x18: {  	s23 =	simm.s32 $0x7D;
	s26 =	simm.s32 $0x4400;
	s9 =	simm.s32 $0x0  }
0x19: {  	s14 =	sadd.s32 s0, s8;
	s0 =	simm.s32 $0x180;
	s8 =	simm.s32 $0x380  }
.LBB2_4:
0x1a: {  	_ =	swait.ge [sflag:s31], $0x3E80  }
0x1b: {  	[sflag:s31] =	ssyncset.done $0x0  }
0x1c: {  	[sflag:s31] =	ssyncadd.s32 $0xFFFFC180  }
0x1d: {  	[spmem:s1] =	stream.indirect.scatter.add.f32 [tilespmem:s26], [sflag:$0x7], $0x80, s8, s23, $0xb8;
	[tilespmem:$0x1BC80] =	vst v63  }
0x1e: {  	_ =	swait.ge [sflag:s18], $0x3E80  }
0x1f: {  	[sflag:s18] =	ssyncset.done $0x0  }
0x20: {  	[sflag:s18] =	ssyncadd.s32 $0xFFFFC180  }
0x21: {  	[bflag:$0x0] =	sbarrier.arrive $0xFFFF  }
0x22: {  	s7 =	rddreg [dreg:$0x8]  }
0x23: {  	[hbm:s7], [sflag:s6] =	dma.local [spmem:s17], $0x2710  }
0x24: {  	_ =	swait.ge [sflag:s18], $0x2710  }
0x25: {  	s9 =	sadd.s32 $0x1, s9;
	s12 =	rddreg [dreg:$0x9]  }
0x26: {  	p0 =	sne.s32 s9, s12  }
.Ltmp1:
0x27: {  	_ = 	snop;
	(pc) =	sbr.rel @!p0 .LBB2_5-.Ltmp1, $3  }
0x28: {  	_ =	sdelay $0x1  }
0x29: {  	[sflag:s18] =	ssyncset.done $0x0  }
0x2a: {  	[sflag:s18] =	ssyncadd.s32 $0xFFFFD8F0  }
.LBB2_1:
0x2b: {  	s7 =	rddreg [dreg:$0x3]  }
0x2c: {  	[spmem:s17], [sflag:s6] =	dma.local [hbm:s7], $0x2710  }
0x2d: {  	_ =	swait.ge [sflag:s18], $0x2710  }
0x2e: {  	[sflag:s18] =	ssyncset.done $0x0  }
0x2f: {  	[sflag:s18] =	ssyncadd.s32 $0xFFFFD8F0  }
0x30: {  	[bflag:$0x0] =	sbarrier.arrive $0xFFFF  }
0x31: {  	s12 =	rddreg [dreg:$0x4]  }
0x32: {  	[tilespmem:s3], [sflag:$0x1] =	stream.linear.gather [hbm4b:s12+s3], $0x100, $0x38;
	[tilespmem:$0x1BC80] =	vst v63  }
0x33: {  	s10 =	rddreg [dreg:$0x5]  }
0x34: {  	[tilespmem:s19], [sflag:$0x2] =	stream.linear.gather [hbm4b:s10+s3], $0x100, $0x38;
	[tilespmem:$0x1BC80] =	vst v63  }
0x35: {  	s11 =	rddreg [dreg:$0x6]  }
0x36: {  	[tilespmem:s20], [sflag:$0x3] =	stream.linear.gather [hbm4b:s11+s3], $0x100, $0x38;
	[tilespmem:$0x1BC80] =	vst v63  }
0x37: {  	s12 =	rddreg [dreg:$0x7]  }
0x38: {  	[tilespmem:s21], [sflag:$0x4] =	stream.linear.gather [hbm4b:s12+s3], $0x100, $0x38;
	[tilespmem:$0x1BC80] =	vst v63  }
0x39: {  	_ =	swait.ge [sflag:s22], $0x100  }
0x3a: {  	[sflag:s22] =	ssyncset.done $0x0  }
0x3b: {  	[sflag:s22] =	ssyncadd.s32 $0xFFFFFF00  }
0x3c: {  	[tilespmem:s24], [sflag:$0x5] =	stream.indirect.gather [hbm4b:s4+s23], $0x80, s3, s23, $0xb8;
	[tilespmem:$0x1BC80] =	vst v63  }
0x3d: {  	_ =	swait.ge [sflag:s25], $0x100  }
0x3e: {  	[sflag:s25] =	ssyncset.done $0x0  }
0x3f: {  	s10 =	simm.s32 $0x0;
	[sflag:s25] =	ssyncadd.s32 $0xFFFFFF00  }
0x40: {  	[tilespmem:s26], [sflag:$0x6] =	stream.indirect.gather [hbm4b:s4+s23], $0x80, s19, s23, $0xb8;
	[tilespmem:$0x1BC80] =	vst v63  }
.LBB2_2:
0x41: {  	_ =	swait.ge [sflag:s28], $0x3E80  }
0x42: {  	[sflag:s28] =	ssyncset.done $0x0  }
0x43: {  	[sflag:s28] =	ssyncadd.s32 $0xFFFFC180  }
0x44: {  	[spmem:s1] =	stream.indirect.scatter.add.f32 [tilespmem:s24], [sflag:$0x7], $0x80, s29, s23, $0xb8;
	[tilespmem:$0x1BC80] =	vst v63  }
0x45: {  	_ =	swait.ge [sflag:s18], $0x3E80  }
0x46: {  	p0 =	seq.s32 s10, $0x980;
	[sflag:s18] =	ssyncset.done $0x0  }
0x47: {  	s11 =	sadd.s32 @!p0 s10, s16;
	s12 =	simm.s32 @!p0 $0x0;
	[sflag:s18] =	ssyncadd.s32 $0xFFFFC180  }
0x48: {  	[tilespmem:s12], [sflag:$0x1] =	stream.linear.gather @!p0 [hbm4b:s11+s12], $0x100, $0x38;
	[tilespmem:$0x1BC80] =	vst v63  }
0x49: {  	_ =	swait.ge [sflag:s30], $0x100  }
0x4a: {  	[sflag:s30] =	ssyncset.done $0x0  }
0x4b: {  	[sflag:s30] =	ssyncadd.s32 $0xFFFFFF00  }
0x4c: {  	[tilespmem:s24], [sflag:$0x5] =	stream.indirect.gather [hbm4b:s4+s23], $0x80, s20, s23, $0xb8;
	[tilespmem:$0x1BC80] =	vst v63  }
0x4d: {  	_ =	swait.ge [sflag:s31], $0x3E80  }
0x4e: {  	[sflag:s31] =	ssyncset.done $0x0  }
0x4f: {  	[sflag:s31] =	ssyncadd.s32 $0xFFFFC180  }
0x50: {  	[spmem:s1] =	stream.indirect.scatter.add.f32 [tilespmem:s26], [sflag:$0x7], $0x80, s0, s23, $0xb8;
	[tilespmem:$0x1BC80] =	vst v63  }
0x51: {  	_ =	swait.ge [sflag:s18], $0x3E80  }
0x52: {  	[sflag:s18] =	ssyncset.done $0x0  }
0x53: {  	s7 =	simm.s32 @!p0 $0x100;
	s11 =	sadd.s32 @!p0 s10, s15;
	[sflag:s18] =	ssyncadd.s32 $0xFFFFC180  }
0x54: {  	[tilespmem:s7], [sflag:$0x2] =	stream.linear.gather @!p0 [hbm4b:s11+s12], $0x100, $0x38;
	[tilespmem:$0x1BC80] =	vst v63  }
0x55: {  	_ =	swait.ge [sflag:s2], $0x100  }
0x56: {  	[sflag:s2] =	ssyncset.done $0x0  }
0x57: {  	[sflag:s2] =	ssyncadd.s32 $0xFFFFFF00  }
0x58: {  	[tilespmem:s26], [sflag:$0x6] =	stream.indirect.gather [hbm4b:s4+s23], $0x80, s21, s23, $0xb8;
	[tilespmem:$0x1BC80] =	vst v63  }
0x59: {  	_ =	swait.ge [sflag:s28], $0x3E80  }
0x5a: {  	[sflag:s28] =	ssyncset.done $0x0  }
.Ltmp2:
0x5b: {  	[sflag:s28] =	ssyncadd.s32 $0xFFFFC180;
	(pc) =	sbr.rel @p0 .LBB2_4-.Ltmp2, $4  }
0x5c: {  	[spmem:s1] =	stream.indirect.scatter.add.f32 [tilespmem:s24], [sflag:$0x7], $0x80, s5, s23, $0xb8;
	[tilespmem:$0x1BC80] =	vst v63  }
0x5d: {  	_ =	swait.ge [sflag:s18], $0x3E80  }
0x5e: {  	[sflag:s18] =	ssyncset.done $0x0  }
0x5f: {  	[sflag:s18] =	ssyncadd.s32 $0xFFFFC180  }
0x60: {  	s7 =	sadd.s32 s10, s14  }
0x61: {  	[tilespmem:s20], [sflag:$0x3] =	stream.linear.gather [hbm4b:s7+s3], $0x100, $0x38;
	[tilespmem:$0x1BC80] =	vst v63  }
0x62: {  	_ =	swait.ge [sflag:s22], $0x100  }
0x63: {  	[sflag:s22] =	ssyncset.done $0x0  }
0x64: {  	[sflag:s22] =	ssyncadd.s32 $0xFFFFFF00  }
0x65: {  	[tilespmem:s24], [sflag:$0x5] =	stream.indirect.gather [hbm4b:s4+s23], $0x80, s3, s23, $0xb8;
	[tilespmem:$0x1BC80] =	vst v63  }
0x66: {  	_ =	swait.ge [sflag:s31], $0x3E80  }
0x67: {  	[sflag:s31] =	ssyncset.done $0x0  }
0x68: {  	[sflag:s31] =	ssyncadd.s32 $0xFFFFC180  }
0x69: {  	[spmem:s1] =	stream.indirect.scatter.add.f32 [tilespmem:s26], [sflag:$0x7], $0x80, s8, s23, $0xb8;
	[tilespmem:$0x1BC80] =	vst v63  }
0x6a: {  	_ =	swait.ge [sflag:s18], $0x3E80  }
0x6b: {  	[sflag:s18] =	ssyncset.done $0x0  }
0x6c: {  	s12 =	sadd.s32 s10, s13;
	[sflag:s18] =	ssyncadd.s32 $0xFFFFC180  }
0x6d: {  	[tilespmem:s21], [sflag:$0x4] =	stream.linear.gather [hbm4b:s12+s3], $0x100, $0x38;
	[tilespmem:$0x1BC80] =	vst v63  }
.Ltmp3:
0x6e: {  	_ = 	snop;
	(pc) =	sbr.rel .LBB2_2-.Ltmp3, $4  }
0x6f: {  	_ =	swait.ge [sflag:s25], $0x100  }
0x70: {  	[sflag:s25] =	ssyncset.done $0x0  }
0x71: {  	s10 =	sadd.s32 $0x80, s10;
	[sflag:s25] =	ssyncadd.s32 $0xFFFFFF00  }
0x72: {  	[tilespmem:s26], [sflag:$0x6] =	stream.indirect.gather [hbm4b:s4+s23], $0x80, s19, s23, $0xb8;
	[tilespmem:$0x1BC80] =	vst v63  }
.LBB2_5:
0x73: {  	_ =	sfence.sel $0x180000  }
0x74: {  	[bflag:$0x0] =	sbarrier.arrive $0xFFFF  }
0x75: {  	_ =	strace $0x9000004A  }
0x76: {  	s0 =	stileid.u32;
	[bflag:$0x2] =	sbarrier.arrive $0xFFFF  }
0x77: {  	p0 =	sne.s32 s0, $0x0;
	s0 =	rddreg [dreg:$0x2]  }
0x78: {  	s0 =	sadd.s32 @!p0 $0x100000, s0  }
0x79: {  	[sflag:s0] =	ssyncadd.tile.s32 @!p0 $0x1;
	_ =	shalt  }
.Lfunc_end2:
_tile_overlayer_lowered:
.L_overlay_start_2:
0x7a: {  	(tag) =	ssettag $0x2  }
0x7b: {  	s0 =	rddreg [dreg:$0x0];
	s2 =	stileid.u32  }
0x7c: {  	s1 =	rddreg [dreg:$0x1];
	p0 =	sne.s32 s2, $0x0  }
0x7d: {  	s3 =	rddreg [dreg:$0x2];
	[bflag:$0x3] =	sbarrier.arrive $0xFFFF;
	s2 =	simm.s32 @!p0 $0x1C07  }
0x7e: {  	[timem:s3], [sflag:s2] =	dma.local @!p0 [hbm:s0], s1  }
0x7f: {  	s0 =	simm.s32 @!p0 $0x7  }
0x80: {  	_ =	swait.ge @!p0 [sflag:s0], s1  }
0x81: {  	s1 =	ssub.s32 @!p0 $0x0, s1;
	[sflag:s0] =	ssyncset.done @!p0 $0x0  }
0x82: {  	[sflag:s0] =	ssyncadd.s32 @!p0 s1  }
0x83: {  	[bflag:$0x3] =	sbarrier.arrive $0xFFFF  }
0x84: {  	_ =	shalt  }

</sc_bundles>
